<compile_context>
chip_gen: v7x
topology: tpu7x:2x2x1
jax: 0.10.2.dev20260603
libtpu: 0.0.44.dev20260713+nightly
codegen_flags: <defaults>
</compile_context>

<pallas_src>
import jax
import jax.numpy as jnp
from jax import lax
from jax.experimental import pallas as pl
from jax.experimental.pallas import tpu as pltpu
from jax.experimental.pallas import tpu_sc as plsc

B, N, F, D = 1024, 128, 9, 64
NC, NS = 2, 16
NW = NC * NS
BPW = B // NW
C = 64
ROWS = C * F
OG = (N + 1) * D
DW = D // 2

def _pack_table(t):
    v = t.shape[0]
    ti = lax.bitcast_convert_type(t, jnp.uint32)
    r = ti + (jnp.uint32(0x7FFF) + ((ti >> 16) & jnp.uint32(1)))
    r4 = r.reshape(v, D // 32, 2, 16)
    packed = (r4[:, :, 0, :] >> 16) | (r4[:, :, 1, :] & jnp.uint32(0xFFFF0000))
    return packed.reshape(v, DW)


def _sc_body(xt_hbm, deg_hbm, atom_hbm, dtab_hbm, tok_hbm, out_hbm,
             aidx, didx0, didx1, arows0, arows1, grows0, grows1,
             obuf, semI0, semI1, semG0, semG1, semO):
    wid = lax.axis_index("s") * NC + lax.axis_index("c")
    b0 = wid * BPW

    didx = (didx0, didx1)
    arows = (arows0, arows1)
    grows = (grows0, grows1)
    semI = (semI0, semI1)
    semG = (semG0, semG1)

    pltpu.sync_copy(xt_hbm.at[:, pl.ds(b0, BPW), :], aidx)
    pltpu.sync_copy(tok_hbm, obuf.at[pl.ds(0, D)])

    def fire_didx(b, h):
        pltpu.async_copy(deg_hbm.at[pl.ds(b * N + h * C, C)], didx[h],
                         semI[h])

    def wait_didx(h):
        pltpu.make_async_copy(deg_hbm.at[pl.ds(0, C)], didx[h],
                              semI[h]).wait()

    def fire_gathers(i, h):
        for j in range(F):
            pltpu.async_copy(atom_hbm.at[aidx.at[j, i, pl.ds(h * C, C)]],
                             arows[h].at[pl.ds(j * C, C)], semG[h])
        pltpu.async_copy(dtab_hbm.at[didx[h]], grows[h], semG[h])

    def wait_gathers(h):
        for j in range(F):
            pltpu.make_async_copy(atom_hbm.at[pl.ds(0, C)],
                                  arows[h].at[pl.ds(j * C, C)],
                                  semG[h]).wait()
        pltpu.make_async_copy(dtab_hbm.at[pl.ds(0, C)], grows[h],
                              semG[h]).wait()

    def lo_f32(v):
        return plsc.bitcast(lax.shift_left(v, jnp.uint32(16)), jnp.float32)

    def hi_f32(v):
        return plsc.bitcast(v, jnp.float32)

    def compute(h):
        @plsc.parallel_loop(0, C, unroll=2)
        def node_body(c):
            o0 = (1 + h * C + c) * D
            for col in range(DW // 16):
                cs = pl.ds(col * 16, 16)
                g = grows[h][c, cs]
                lo = lo_f32(g)
                hi = hi_f32(g)
                for j in range(F):
                    v = arows[h][j * C + c, cs]
                    lo = lo + lo_f32(v)
                    hi = hi + hi_f32(v)
                obuf[pl.ds(o0 + col * 32, 16)] = lo
                obuf[pl.ds(o0 + col * 32 + 16, 16)] = hi

    fire_didx(b0, 0)
    fire_didx(b0, 1)
    wait_didx(0)
    fire_gathers(0, 0)

    def batch_body(i, carry):
        b = b0 + i
        last = i == BPW - 1

        wait_gathers(0)

        @pl.when(jnp.logical_not(last))
        def _():
            fire_didx(b + 1, 0)

        wait_didx(1)
        fire_gathers(i, 1)

        @pl.when(i > 0)
        def _():
            pltpu.make_async_copy(obuf, out_hbm.at[pl.ds(0, OG)], semO).wait()

        compute(0)

        wait_gathers(1)

        @pl.when(jnp.logical_not(last))
        def _():
            fire_didx(b + 1, 1)
            wait_didx(0)
            fire_gathers(i + 1, 0)

        compute(1)
        pltpu.async_copy(obuf, out_hbm.at[pl.ds(b * OG, OG)], semO)
        return carry

    lax.fori_loop(0, BPW, batch_body, 0)
    pltpu.make_async_copy(obuf, out_hbm.at[pl.ds(0, OG)], semO).wait()


def kernel(x, degree, atom_table, degree_table, graph_token):
    xt = jnp.transpose(x, (2, 0, 1))
    degf = degree.reshape(B * N)
    tokf = graph_token.reshape(D)
    atom_p = _pack_table(atom_table)
    dtab_p = _pack_table(degree_table)
    mesh = plsc.VectorSubcoreMesh(core_axis_name="c", subcore_axis_name="s")
    run = pl.kernel(
        _sc_body,
        out_type=jax.ShapeDtypeStruct((B * OG,), jnp.float32),
        mesh=mesh,
        scratch_types=[
            pltpu.VMEM((F, BPW, N), jnp.int32),
            pltpu.VMEM((C,), jnp.int32),
            pltpu.VMEM((C,), jnp.int32),
            pltpu.VMEM((ROWS, DW), jnp.uint32),
            pltpu.VMEM((ROWS, DW), jnp.uint32),
            pltpu.VMEM((C, DW), jnp.uint32),
            pltpu.VMEM((C, DW), jnp.uint32),
            pltpu.VMEM(((N + 1) * D,), jnp.float32),
            pltpu.SemaphoreType.DMA,
            pltpu.SemaphoreType.DMA,
            pltpu.SemaphoreType.DMA,
            pltpu.SemaphoreType.DMA,
            pltpu.SemaphoreType.DMA,
        ],
        compiler_params=pltpu.CompilerParams(use_tc_tiling_on_sc=False,
                                             needs_layout_passes=False),
    )
    out = run(xt, degf, atom_p, dtab_p, tokf)
    return out.reshape(B, N + 1, D)

# --- scband reference (transcript-rebuilt; emitter-appended) ---
"""Pipeline reference for scband-graph-node-feature-82403242541583 (READ-ONLY COPY).

The authoritative reference and input builder live on the scoring server;
editing this copy changes nothing except your own understanding.
"""

import jax, jax.numpy as jnp
import numpy as np

NUM_ATOMS = 100000
NUM_DEGREES = 512
EMBED_DIM = 64
B, N, F = 1024, 128, 9


def setup_inputs(seed: int = 0) -> dict:
    key = jax.random.key(seed)
    k1, k2, k3, k4, k5 = jax.random.split(key, 5)
    x = jax.random.randint(k1, (B, N, F), 0, NUM_ATOMS + 1, dtype=jnp.int64 if jax.config.jax_enable_x64 else jnp.int32)
    degree = jax.random.randint(k2, (B, N), 0, NUM_DEGREES + 1, dtype=jnp.int64 if jax.config.jax_enable_x64 else jnp.int32)
    atom_table = jax.random.normal(k3, (NUM_ATOMS + 1, EMBED_DIM), dtype=jnp.float32) * 0.02
    atom_table = atom_table.at[0].set(0.0)  # padding_idx=0
    degree_table = jax.random.normal(k4, (NUM_DEGREES + 1, EMBED_DIM), dtype=jnp.float32) * 0.02
    degree_table = degree_table.at[0].set(0.0)  # padding_idx=0
    graph_token = jax.random.normal(k5, (1, EMBED_DIM), dtype=jnp.float32) * 0.02
    return {"x": x, "degree": degree, "atom_table": atom_table, "degree_table": degree_table, "graph_token": graph_token}


def reference(x, degree, atom_table, degree_table, graph_token):
    n_graph = x.shape[0]
    # atom_encoder(x): [B, N, F, D] -> sum over feature axis -> [B, N, D]
    node_feature = jnp.take(atom_table, x, axis=0).sum(axis=-2)
    # + degree_encoder(degree): [B, N, D]
    node_feature = node_feature + jnp.take(degree_table, degree, axis=0)
    # graph token: [1, D] -> [B, 1, D]
    graph_token_feature = jnp.broadcast_to(graph_token[None, :, :], (n_graph, 1, graph_token.shape[-1]))
    graph_node_feature = jnp.concatenate([graph_token_feature, node_feature], axis=1)
    return graph_node_feature

if __name__ == "__main__":
    import jax
    _d = setup_inputs()
    print(jax.jit(kernel)(*tuple(_d.values())))

</pallas_src>

<mosaic_0001>
#map = affine_map<(d0, d1) -> (0, 0, 0)>
#map1 = affine_map<(d0, d1) -> (0)>
#map2 = affine_map<(d0, d1) -> (0, 0)>
module attributes {stable_mosaic.version = 14 : i64} {
  func.func @_sc_body(%arg0: i32, %arg1: i32, %arg2: memref<9x1024x128xi32, #tpu.memory_space<hbm>>, %arg3: memref<131072xi32, #tpu.memory_space<hbm>>, %arg4: memref<100001x32xi32, #tpu.memory_space<hbm>>, %arg5: memref<513x32xi32, #tpu.memory_space<hbm>>, %arg6: memref<64xf32, #tpu.memory_space<hbm>>, %arg7: memref<8454144xf32, #tpu.memory_space<hbm>>, %arg8: memref<9x32x128xi32, #tpu.memory_space<vmem>>, %arg9: memref<64xi32, #tpu.memory_space<vmem>>, %arg10: memref<64xi32, #tpu.memory_space<vmem>>, %arg11: memref<576x32xi32, #tpu.memory_space<vmem>>, %arg12: memref<576x32xi32, #tpu.memory_space<vmem>>, %arg13: memref<64x32xi32, #tpu.memory_space<vmem>>, %arg14: memref<64x32xi32, #tpu.memory_space<vmem>>, %arg15: memref<8256xf32, #tpu.memory_space<vmem>>, %arg16: memref<!tpu.dma_semaphore, #tpu.memory_space<semaphore_mem>>, %arg17: memref<!tpu.dma_semaphore, #tpu.memory_space<semaphore_mem>>, %arg18: memref<!tpu.dma_semaphore, #tpu.memory_space<semaphore_mem>>, %arg19: memref<!tpu.dma_semaphore, #tpu.memory_space<semaphore_mem>>, %arg20: memref<!tpu.dma_semaphore, #tpu.memory_space<semaphore_mem>>) attributes {dimension_semantics = [#tpu.dimension_semantics<core_parallel>, #tpu.dimension_semantics<subcore_parallel>], iteration_bounds = array<i64: 2, 16>, scalar_prefetch = 0 : i64, scratch_operands = 13 : i64, tpu.core_type = #tpu.core_type<sc_vector_subcore>, window_params = [{transform_indices = #map}, {transform_indices = #map1}, {transform_indices = #map2}, {transform_indices = #map2}, {transform_indices = #map1}, {transform_indices = #map1}]} {
    %mul3A = arith.constant 2 : i32
    %mul3A_0 = arith.muli %arg1, %mul3A : i32
    %add3A = arith.addi %mul3A_0, %arg0 : i32
    %mul3A_1 = arith.constant 32 : i32
    %mul3A_2 = arith.muli %add3A, %mul3A_1 : i32
    "tpu.region"() ({
      %run_scoped3A = tpu.sem_alloc : memref<!tpu.dma_semaphore, #tpu.memory_space<semaphore_mem>>
      %dma_start3A_128 = arith.constant 0 : i32
      %dma_start3A_129 = arith.constant 0 : i32
      %dma_start3A_130 = tpu.memref_slice %arg2[%dma_start3A_128, %mul3A_2, %dma_start3A_129] : memref<9x1024x128xi32, #tpu.memory_space<hbm>> -> memref<9x32x128xi32, #tpu.memory_space<hbm>>
      %dma_start3A_131 = arith.constant 0 : i32
      %dma_start3A_132 = arith.constant 0 : i32
      %dma_start3A_133 = tpu.memref_slice %arg2[%dma_start3A_131, %mul3A_2, %dma_start3A_132] : memref<9x1024x128xi32, #tpu.memory_space<hbm>> -> memref<9x32x128xi32, #tpu.memory_space<hbm>>
      tpu.enqueue_dma source(%dma_start3A_133 : memref<9x32x128xi32, #tpu.memory_space<hbm>>) target(%arg8 : memref<9x32x128xi32, #tpu.memory_space<vmem>>) target_semaphore(%run_scoped3A : memref<!tpu.dma_semaphore, #tpu.memory_space<semaphore_mem>>)
      %dma_wait3A_134 = arith.constant 0 : i32
      %dma_wait3A_135 = arith.constant 0 : i32
      %dma_wait3A_136 = tpu.memref_slice %arg2[%dma_wait3A_134, %mul3A_2, %dma_wait3A_135] : memref<9x1024x128xi32, #tpu.memory_space<hbm>> -> memref<9x32x128xi32, #tpu.memory_space<hbm>>
      %dma_wait3A_137 = arith.constant 0 : i32
      %dma_wait3A_138 = arith.constant 0 : i32
      %dma_wait3A_139 = tpu.memref_slice %arg2[%dma_wait3A_137, %mul3A_2, %dma_wait3A_138] : memref<9x1024x128xi32, #tpu.memory_space<hbm>> -> memref<9x32x128xi32, #tpu.memory_space<hbm>>
      tpu.wait_dma2 semaphore(%run_scoped3A : memref<!tpu.dma_semaphore, #tpu.memory_space<semaphore_mem>>) src(%dma_wait3A_139 : memref<9x32x128xi32, #tpu.memory_space<hbm>>) dst(%arg8 : memref<9x32x128xi32, #tpu.memory_space<vmem>>)
      tpu.yield
    }) : () -> ()
    "tpu.region"() ({
      %run_scoped3A = tpu.sem_alloc : memref<!tpu.dma_semaphore, #tpu.memory_space<semaphore_mem>>
      %dma_start3A_128 = arith.constant 0 : i32
      %dma_start3A_129 = tpu.memref_slice %arg15[%dma_start3A_128] : memref<8256xf32, #tpu.memory_space<vmem>> -> memref<64xf32, #tpu.memory_space<vmem>>
      %dma_start3A_130 = arith.constant 0 : i32
      %dma_start3A_131 = tpu.memref_slice %arg15[%dma_start3A_130] : memref<8256xf32, #tpu.memory_space<vmem>> -> memref<64xf32, #tpu.memory_space<vmem>>
      tpu.enqueue_dma source(%arg6 : memref<64xf32, #tpu.memory_space<hbm>>) target(%dma_start3A_131 : memref<64xf32, #tpu.memory_space<vmem>>) target_semaphore(%run_scoped3A : memref<!tpu.dma_semaphore, #tpu.memory_space<semaphore_mem>>)
      %dma_wait3A_132 = arith.constant 0 : i32
      %dma_wait3A_133 = tpu.memref_slice %arg15[%dma_wait3A_132] : memref<8256xf32, #tpu.memory_space<vmem>> -> memref<64xf32, #tpu.memory_space<vmem>>
      %dma_wait3A_134 = arith.constant 0 : i32
      %dma_wait3A_135 = tpu.memref_slice %arg15[%dma_wait3A_134] : memref<8256xf32, #tpu.memory_space<vmem>> -> memref<64xf32, #tpu.memory_space<vmem>>
      tpu.wait_dma2 semaphore(%run_scoped3A : memref<!tpu.dma_semaphore, #tpu.memory_space<semaphore_mem>>) src(%arg6 : memref<64xf32, #tpu.memory_space<hbm>>) dst(%dma_wait3A_135 : memref<64xf32, #tpu.memory_space<vmem>>)
      tpu.yield
    }) : () -> ()
    %mul3A_3 = arith.constant 128 : i32
    %mul3A_4 = arith.muli %mul3A_2, %mul3A_3 : i32
    %add3A_5 = arith.constant 0 : i32
    %add3A_6 = arith.addi %mul3A_4, %add3A_5 : i32
    %dma_start3A = tpu.memref_slice %arg3[%add3A_6] : memref<131072xi32, #tpu.memory_space<hbm>> -> memref<64xi32, #tpu.memory_space<hbm>>
    %dma_start3A_7 = tpu.memref_slice %arg3[%add3A_6] : memref<131072xi32, #tpu.memory_space<hbm>> -> memref<64xi32, #tpu.memory_space<hbm>>
    tpu.enqueue_dma source(%dma_start3A_7 : memref<64xi32, #tpu.memory_space<hbm>>) target(%arg9 : memref<64xi32, #tpu.memory_space<vmem>>) target_semaphore(%arg16 : memref<!tpu.dma_semaphore, #tpu.memory_space<semaphore_mem>>)
    %mul3A_8 = arith.constant 128 : i32
    %mul3A_9 = arith.muli %mul3A_2, %mul3A_8 : i32
    %add3A_10 = arith.constant 64 : i32
    %add3A_11 = arith.addi %mul3A_9, %add3A_10 : i32
    %dma_start3A_12 = tpu.memref_slice %arg3[%add3A_11] : memref<131072xi32, #tpu.memory_space<hbm>> -> memref<64xi32, #tpu.memory_space<hbm>>
    %dma_start3A_13 = tpu.memref_slice %arg3[%add3A_11] : memref<131072xi32, #tpu.memory_space<hbm>> -> memref<64xi32, #tpu.memory_space<hbm>>
    tpu.enqueue_dma source(%dma_start3A_13 : memref<64xi32, #tpu.memory_space<hbm>>) target(%arg10 : memref<64xi32, #tpu.memory_space<vmem>>) target_semaphore(%arg17 : memref<!tpu.dma_semaphore, #tpu.memory_space<semaphore_mem>>)
    %dma_wait3A = arith.constant 0 : i32
    %dma_wait3A_14 = tpu.memref_slice %arg3[%dma_wait3A] : memref<131072xi32, #tpu.memory_space<hbm>> -> memref<64xi32, #tpu.memory_space<hbm>>
    %dma_wait3A_15 = arith.constant 0 : i32
    %dma_wait3A_16 = tpu.memref_slice %arg3[%dma_wait3A_15] : memref<131072xi32, #tpu.memory_space<hbm>> -> memref<64xi32, #tpu.memory_space<hbm>>
    tpu.wait_dma2 semaphore(%arg16 : memref<!tpu.dma_semaphore, #tpu.memory_space<semaphore_mem>>) src(%dma_wait3A_16 : memref<64xi32, #tpu.memory_space<hbm>>) dst(%arg9 : memref<64xi32, #tpu.memory_space<vmem>>)
    %dma_start3A_17 = arith.constant 0 : i32
    %dma_start3A_18 = arith.constant 0 : i32
    %dma_start3A_19 = arith.constant 0 : i32
    %dma_start3A_20 = arith.constant 0 : i32
    %dma_start3A_21 = tpu.memref_slice %arg11[%dma_start3A_19, %dma_start3A_20] : memref<576x32xi32, #tpu.memory_space<vmem>> -> memref<64x32xi32, #tpu.memory_space<vmem>>
    %dma_start3A_22 = arith.constant 0 : i32
    %dma_start3A_23 = tpu.memref_slice %arg8[%dma_start3A_17, %dma_start3A_18, %dma_start3A_22] : memref<9x32x128xi32, #tpu.memory_space<vmem>> -> memref<1x1x64xi32, #tpu.memory_space<vmem>>
    %dma_start3A_24 = tpu.memref_squeeze %dma_start3A_23 : memref<1x1x64xi32, #tpu.memory_space<vmem>> -> memref<64xi32, #tpu.memory_space<vmem>>
    %dma_start3A_25 = arith.constant 0 : i32
    %dma_start3A_26 = arith.constant 0 : i32
    %dma_start3A_27 = tpu.memref_slice %arg4[%dma_start3A_25, %dma_start3A_26] : memref<100001x32xi32, #tpu.memory_space<hbm>> -> memref<100001x32xi32, #tpu.memory_space<hbm>>
    tpu.enqueue_indirect_dma source(%dma_start3A_27 : memref<100001x32xi32, #tpu.memory_space<hbm>>) target(%dma_start3A_21 : memref<64x32xi32, #tpu.memory_space<vmem>>) offsets(%dma_start3A_24 : memref<64xi32, #tpu.memory_space<vmem>>) semaphore(%arg18 : memref<!tpu.dma_semaphore, #tpu.memory_space<semaphore_mem>>)
    %dma_start3A_28 = arith.constant 1 : i32
    %dma_start3A_29 = arith.constant 0 : i32
    %dma_start3A_30 = arith.constant 64 : i32
    %dma_start3A_31 = arith.constant 0 : i32
    %dma_start3A_32 = tpu.memref_slice %arg11[%dma_start3A_30, %dma_start3A_31] : memref<576x32xi32, #tpu.memory_space<vmem>> -> memref<64x32xi32, #tpu.memory_space<vmem>>
    %dma_start3A_33 = arith.constant 0 : i32
    %dma_start3A_34 = tpu.memref_slice %arg8[%dma_start3A_28, %dma_start3A_29, %dma_start3A_33] : memref<9x32x128xi32, #tpu.memory_space<vmem>> -> memref<1x1x64xi32, #tpu.memory_space<vmem>>
    %dma_start3A_35 = tpu.memref_squeeze %dma_start3A_34 : memref<1x1x64xi32, #tpu.memory_space<vmem>> -> memref<64xi32, #tpu.memory_space<vmem>>
    %dma_start3A_36 = arith.constant 0 : i32
    %dma_start3A_37 = arith.constant 0 : i32
    %dma_start3A_38 = tpu.memref_slice %arg4[%dma_start3A_36, %dma_start3A_37] : memref<100001x32xi32, #tpu.memory_space<hbm>> -> memref<100001x32xi32, #tpu.memory_space<hbm>>
    tpu.enqueue_indirect_dma source(%dma_start3A_38 : memref<100001x32xi32, #tpu.memory_space<hbm>>) target(%dma_start3A_32 : memref<64x32xi32, #tpu.memory_space<vmem>>) offsets(%dma_start3A_35 : memref<64xi32, #tpu.memory_space<vmem>>) semaphore(%arg18 : memref<!tpu.dma_semaphore, #tpu.memory_space<semaphore_mem>>)
    %dma_start3A_39 = arith.constant 2 : i32
    %dma_start3A_40 = arith.constant 0 : i32
    %dma_start3A_41 = arith.constant 128 : i32
    %dma_start3A_42 = arith.constant 0 : i32
    %dma_start3A_43 = tpu.memref_slice %arg11[%dma_start3A_41, %dma_start3A_42] : memref<576x32xi32, #tpu.memory_space<vmem>> -> memref<64x32xi32, #tpu.memory_space<vmem>>
    %dma_start3A_44 = arith.constant 0 : i32
    %dma_start3A_45 = tpu.memref_slice %arg8[%dma_start3A_39, %dma_start3A_40, %dma_start3A_44] : memref<9x32x128xi32, #tpu.memory_space<vmem>> -> memref<1x1x64xi32, #tpu.memory_space<vmem>>
    %dma_start3A_46 = tpu.memref_squeeze %dma_start3A_45 : memref<1x1x64xi32, #tpu.memory_space<vmem>> -> memref<64xi32, #tpu.memory_space<vmem>>
    %dma_start3A_47 = arith.constant 0 : i32
    %dma_start3A_48 = arith.constant 0 : i32
    %dma_start3A_49 = tpu.memref_slice %arg4[%dma_start3A_47, %dma_start3A_48] : memref<100001x32xi32, #tpu.memory_space<hbm>> -> memref<100001x32xi32, #tpu.memory_space<hbm>>
    tpu.enqueue_indirect_dma source(%dma_start3A_49 : memref<100001x32xi32, #tpu.memory_space<hbm>>) target(%dma_start3A_43 : memref<64x32xi32, #tpu.memory_space<vmem>>) offsets(%dma_start3A_46 : memref<64xi32, #tpu.memory_space<vmem>>) semaphore(%arg18 : memref<!tpu.dma_semaphore, #tpu.memory_space<semaphore_mem>>)
    %dma_start3A_50 = arith.constant 3 : i32
    %dma_start3A_51 = arith.constant 0 : i32
    %dma_start3A_52 = arith.constant 192 : i32
    %dma_start3A_53 = arith.constant 0 : i32
    %dma_start3A_54 = tpu.memref_slice %arg11[%dma_start3A_52, %dma_start3A_53] : memref<576x32xi32, #tpu.memory_space<vmem>> -> memref<64x32xi32, #tpu.memory_space<vmem>>
    %dma_start3A_55 = arith.constant 0 : i32
    %dma_start3A_56 = tpu.memref_slice %arg8[%dma_start3A_50, %dma_start3A_51, %dma_start3A_55] : memref<9x32x128xi32, #tpu.memory_space<vmem>> -> memref<1x1x64xi32, #tpu.memory_space<vmem>>
    %dma_start3A_57 = tpu.memref_squeeze %dma_start3A_56 : memref<1x1x64xi32, #tpu.memory_space<vmem>> -> memref<64xi32, #tpu.memory_space<vmem>>
    %dma_start3A_58 = arith.constant 0 : i32
    %dma_start3A_59 = arith.constant 0 : i32
    %dma_start3A_60 = tpu.memref_slice %arg4[%dma_start3A_58, %dma_start3A_59] : memref<100001x32xi32, #tpu.memory_space<hbm>> -> memref<100001x32xi32, #tpu.memory_space<hbm>>
    tpu.enqueue_indirect_dma source(%dma_start3A_60 : memref<100001x32xi32, #tpu.memory_space<hbm>>) target(%dma_start3A_54 : memref<64x32xi32, #tpu.memory_space<vmem>>) offsets(%dma_start3A_57 : memref<64xi32, #tpu.memory_space<vmem>>) semaphore(%arg18 : memref<!tpu.dma_semaphore, #tpu.memory_space<semaphore_mem>>)
    %dma_start3A_61 = arith.constant 4 : i32
    %dma_start3A_62 = arith.constant 0 : i32
    %dma_start3A_63 = arith.constant 256 : i32
    %dma_start3A_64 = arith.constant 0 : i32
    %dma_start3A_65 = tpu.memref_slice %arg11[%dma_start3A_63, %dma_start3A_64] : memref<576x32xi32, #tpu.memory_space<vmem>> -> memref<64x32xi32, #tpu.memory_space<vmem>>
    %dma_start3A_66 = arith.constant 0 : i32
    %dma_start3A_67 = tpu.memref_slice %arg8[%dma_start3A_61, %dma_start3A_62, %dma_start3A_66] : memref<9x32x128xi32, #tpu.memory_space<vmem>> -> memref<1x1x64xi32, #tpu.memory_space<vmem>>
    %dma_start3A_68 = tpu.memref_squeeze %dma_start3A_67 : memref<1x1x64xi32, #tpu.memory_space<vmem>> -> memref<64xi32, #tpu.memory_space<vmem>>
    %dma_start3A_69 = arith.constant 0 : i32
    %dma_start3A_70 = arith.constant 0 : i32
    %dma_start3A_71 = tpu.memref_slice %arg4[%dma_start3A_69, %dma_start3A_70] : memref<100001x32xi32, #tpu.memory_space<hbm>> -> memref<100001x32xi32, #tpu.memory_space<hbm>>
    tpu.enqueue_indirect_dma source(%dma_start3A_71 : memref<100001x32xi32, #tpu.memory_space<hbm>>) target(%dma_start3A_65 : memref<64x32xi32, #tpu.memory_space<vmem>>) offsets(%dma_start3A_68 : memref<64xi32, #tpu.memory_space<vmem>>) semaphore(%arg18 : memref<!tpu.dma_semaphore, #tpu.memory_space<semaphore_mem>>)
    %dma_start3A_72 = arith.constant 5 : i32
    %dma_start3A_73 = arith.constant 0 : i32
    %dma_start3A_74 = arith.constant 320 : i32
    %dma_start3A_75 = arith.constant 0 : i32
    %dma_start3A_76 = tpu.memref_slice %arg11[%dma_start3A_74, %dma_start3A_75] : memref<576x32xi32, #tpu.memory_space<vmem>> -> memref<64x32xi32, #tpu.memory_space<vmem>>
    %dma_start3A_77 = arith.constant 0 : i32
    %dma_start3A_78 = tpu.memref_slice %arg8[%dma_start3A_72, %dma_start3A_73, %dma_start3A_77] : memref<9x32x128xi32, #tpu.memory_space<vmem>> -> memref<1x1x64xi32, #tpu.memory_space<vmem>>
    %dma_start3A_79 = tpu.memref_squeeze %dma_start3A_78 : memref<1x1x64xi32, #tpu.memory_space<vmem>> -> memref<64xi32, #tpu.memory_space<vmem>>
    %dma_start3A_80 = arith.constant 0 : i32
    %dma_start3A_81 = arith.constant 0 : i32
    %dma_start3A_82 = tpu.memref_slice %arg4[%dma_start3A_80, %dma_start3A_81] : memref<100001x32xi32, #tpu.memory_space<hbm>> -> memref<100001x32xi32, #tpu.memory_space<hbm>>
    tpu.enqueue_indirect_dma source(%dma_start3A_82 : memref<100001x32xi32, #tpu.memory_space<hbm>>) target(%dma_start3A_76 : memref<64x32xi32, #tpu.memory_space<vmem>>) offsets(%dma_start3A_79 : memref<64xi32, #tpu.memory_space<vmem>>) semaphore(%arg18 : memref<!tpu.dma_semaphore, #tpu.memory_space<semaphore_mem>>)
    %dma_start3A_83 = arith.constant 6 : i32
    %dma_start3A_84 = arith.constant 0 : i32
    %dma_start3A_85 = arith.constant 384 : i32
    %dma_start3A_86 = arith.constant 0 : i32
    %dma_start3A_87 = tpu.memref_slice %arg11[%dma_start3A_85, %dma_start3A_86] : memref<576x32xi32, #tpu.memory_space<vmem>> -> memref<64x32xi32, #tpu.memory_space<vmem>>
    %dma_start3A_88 = arith.constant 0 : i32
    %dma_start3A_89 = tpu.memref_slice %arg8[%dma_start3A_83, %dma_start3A_84, %dma_start3A_88] : memref<9x32x128xi32, #tpu.memory_space<vmem>> -> memref<1x1x64xi32, #tpu.memory_space<vmem>>
    %dma_start3A_90 = tpu.memref_squeeze %dma_start3A_89 : memref<1x1x64xi32, #tpu.memory_space<vmem>> -> memref<64xi32, #tpu.memory_space<vmem>>
    %dma_start3A_91 = arith.constant 0 : i32
    %dma_start3A_92 = arith.constant 0 : i32
    %dma_start3A_93 = tpu.memref_slice %arg4[%dma_start3A_91, %dma_start3A_92] : memref<100001x32xi32, #tpu.memory_space<hbm>> -> memref<100001x32xi32, #tpu.memory_space<hbm>>
    tpu.enqueue_indirect_dma source(%dma_start3A_93 : memref<100001x32xi32, #tpu.memory_space<hbm>>) target(%dma_start3A_87 : memref<64x32xi32, #tpu.memory_space<vmem>>) offsets(%dma_start3A_90 : memref<64xi32, #tpu.memory_space<vmem>>) semaphore(%arg18 : memref<!tpu.dma_semaphore, #tpu.memory_space<semaphore_mem>>)
    %dma_start3A_94 = arith.constant 7 : i32
    %dma_start3A_95 = arith.constant 0 : i32
    %dma_start3A_96 = arith.constant 448 : i32
    %dma_start3A_97 = arith.constant 0 : i32
    %dma_start3A_98 = tpu.memref_slice %arg11[%dma_start3A_96, %dma_start3A_97] : memref<576x32xi32, #tpu.memory_space<vmem>> -> memref<64x32xi32, #tpu.memory_space<vmem>>
    %dma_start3A_99 = arith.constant 0 : i32
    %dma_start3A_100 = tpu.memref_slice %arg8[%dma_start3A_94, %dma_start3A_95, %dma_start3A_99] : memref<9x32x128xi32, #tpu.memory_space<vmem>> -> memref<1x1x64xi32, #tpu.memory_space<vmem>>
    %dma_start3A_101 = tpu.memref_squeeze %dma_start3A_100 : memref<1x1x64xi32, #tpu.memory_space<vmem>> -> memref<64xi32, #tpu.memory_space<vmem>>
    %dma_start3A_102 = arith.constant 0 : i32
    %dma_start3A_103 = arith.constant 0 : i32
    %dma_start3A_104 = tpu.memref_slice %arg4[%dma_start3A_102, %dma_start3A_103] : memref<100001x32xi32, #tpu.memory_space<hbm>> -> memref<100001x32xi32, #tpu.memory_space<hbm>>
    tpu.enqueue_indirect_dma source(%dma_start3A_104 : memref<100001x32xi32, #tpu.memory_space<hbm>>) target(%dma_start3A_98 : memref<64x32xi32, #tpu.memory_space<vmem>>) offsets(%dma_start3A_101 : memref<64xi32, #tpu.memory_space<vmem>>) semaphore(%arg18 : memref<!tpu.dma_semaphore, #tpu.memory_space<semaphore_mem>>)
    %dma_start3A_105 = arith.constant 8 : i32
    %dma_start3A_106 = arith.constant 0 : i32
    %dma_start3A_107 = arith.constant 512 : i32
    %dma_start3A_108 = arith.constant 0 : i32
    %dma_start3A_109 = tpu.memref_slice %arg11[%dma_start3A_107, %dma_start3A_108] : memref<576x32xi32, #tpu.memory_space<vmem>> -> memref<64x32xi32, #tpu.memory_space<vmem>>
    %dma_start3A_110 = arith.constant 0 : i32
    %dma_start3A_111 = tpu.memref_slice %arg8[%dma_start3A_105, %dma_start3A_106, %dma_start3A_110] : memref<9x32x128xi32, #tpu.memory_space<vmem>> -> memref<1x1x64xi32, #tpu.memory_space<vmem>>
    %dma_start3A_112 = tpu.memref_squeeze %dma_start3A_111 : memref<1x1x64xi32, #tpu.memory_space<vmem>> -> memref<64xi32, #tpu.memory_space<vmem>>
    %dma_start3A_113 = arith.constant 0 : i32
    %dma_start3A_114 = arith.constant 0 : i32
    %dma_start3A_115 = tpu.memref_slice %arg4[%dma_start3A_113, %dma_start3A_114] : memref<100001x32xi32, #tpu.memory_space<hbm>> -> memref<100001x32xi32, #tpu.memory_space<hbm>>
    tpu.enqueue_indirect_dma source(%dma_start3A_115 : memref<100001x32xi32, #tpu.memory_space<hbm>>) target(%dma_start3A_109 : memref<64x32xi32, #tpu.memory_space<vmem>>) offsets(%dma_start3A_112 : memref<64xi32, #tpu.memory_space<vmem>>) semaphore(%arg18 : memref<!tpu.dma_semaphore, #tpu.memory_space<semaphore_mem>>)
    %dma_start3A_116 = arith.constant 0 : i32
    %dma_start3A_117 = arith.constant 0 : i32
    %dma_start3A_118 = tpu.memref_slice %arg5[%dma_start3A_116, %dma_start3A_117] : memref<513x32xi32, #tpu.memory_space<hbm>> -> memref<513x32xi32, #tpu.memory_space<hbm>>
    tpu.enqueue_indirect_dma source(%dma_start3A_118 : memref<513x32xi32, #tpu.memory_space<hbm>>) target(%arg13 : memref<64x32xi32, #tpu.memory_space<vmem>>) offsets(%arg9 : memref<64xi32, #tpu.memory_space<vmem>>) semaphore(%arg18 : memref<!tpu.dma_semaphore, #tpu.memory_space<semaphore_mem>>)
    %scan3A = arith.constant 0 : i32
    %scan3A_119 = arith.constant 0 : i32
    %scan3A_120 = arith.constant 32 : i32
    %scan3A_121 = arith.addi %scan3A_119, %scan3A_120 : i32
    %scan3A_122 = arith.constant 1 : i32
    scf.for %scan3A_128 = %scan3A_119 to %scan3A_121 step %scan3A_122  : i32 {
      %add3A_129 = arith.addi %mul3A_2, %scan3A_128 : i32
      %eq3A = arith.constant 31 : i32
      %eq3A_130 = arith.cmpi eq, %scan3A_128, %eq3A : i32
      %dma_wait3A_131 = arith.constant 0 : i32
      %dma_wait3A_132 = arith.constant 0 : i32
      %dma_wait3A_133 = tpu.memref_slice %arg11[%dma_wait3A_131, %dma_wait3A_132] : memref<576x32xi32, #tpu.memory_space<vmem>> -> memref<64x32xi32, #tpu.memory_space<vmem>>
      %dma_wait3A_134 = arith.constant 0 : i32
      %dma_wait3A_135 = arith.constant 0 : i32
      %dma_wait3A_136 = tpu.memref_slice %arg4[%dma_wait3A_134, %dma_wait3A_135] : memref<100001x32xi32, #tpu.memory_space<hbm>> -> memref<64x32xi32, #tpu.memory_space<hbm>>
      %dma_wait3A_137 = arith.constant 0 : i32
      %dma_wait3A_138 = arith.constant 0 : i32
      %dma_wait3A_139 = tpu.memref_slice %arg11[%dma_wait3A_137, %dma_wait3A_138] : memref<576x32xi32, #tpu.memory_space<vmem>> -> memref<64x32xi32, #tpu.memory_space<vmem>>
      %dma_wait3A_140 = arith.constant 0 : i32
      %dma_wait3A_141 = arith.constant 0 : i32
      %dma_wait3A_142 = tpu.memref_slice %arg4[%dma_wait3A_140, %dma_wait3A_141] : memref<100001x32xi32, #tpu.memory_space<hbm>> -> memref<64x32xi32, #tpu.memory_space<hbm>>
      tpu.wait_dma2 semaphore(%arg18 : memref<!tpu.dma_semaphore, #tpu.memory_space<semaphore_mem>>) src(%dma_wait3A_142 : memref<64x32xi32, #tpu.memory_space<hbm>>) dst(%dma_wait3A_139 : memref<64x32xi32, #tpu.memory_space<vmem>>)
      %dma_wait3A_143 = arith.constant 64 : i32
      %dma_wait3A_144 = arith.constant 0 : i32
      %dma_wait3A_145 = tpu.memref_slice %arg11[%dma_wait3A_143, %dma_wait3A_144] : memref<576x32xi32, #tpu.memory_space<vmem>> -> memref<64x32xi32, #tpu.memory_space<vmem>>
      %dma_wait3A_146 = arith.constant 0 : i32
      %dma_wait3A_147 = arith.constant 0 : i32
      %dma_wait3A_148 = tpu.memref_slice %arg4[%dma_wait3A_146, %dma_wait3A_147] : memref<100001x32xi32, #tpu.memory_space<hbm>> -> memref<64x32xi32, #tpu.memory_space<hbm>>
      %dma_wait3A_149 = arith.constant 64 : i32
      %dma_wait3A_150 = arith.constant 0 : i32
      %dma_wait3A_151 = tpu.memref_slice %arg11[%dma_wait3A_149, %dma_wait3A_150] : memref<576x32xi32, #tpu.memory_space<vmem>> -> memref<64x32xi32, #tpu.memory_space<vmem>>
      %dma_wait3A_152 = arith.constant 0 : i32
      %dma_wait3A_153 = arith.constant 0 : i32
      %dma_wait3A_154 = tpu.memref_slice %arg4[%dma_wait3A_152, %dma_wait3A_153] : memref<100001x32xi32, #tpu.memory_space<hbm>> -> memref<64x32xi32, #tpu.memory_space<hbm>>
      tpu.wait_dma2 semaphore(%arg18 : memref<!tpu.dma_semaphore, #tpu.memory_space<semaphore_mem>>) src(%dma_wait3A_154 : memref<64x32xi32, #tpu.memory_space<hbm>>) dst(%dma_wait3A_151 : memref<64x32xi32, #tpu.memory_space<vmem>>)
      %dma_wait3A_155 = arith.constant 128 : i32
      %dma_wait3A_156 = arith.constant 0 : i32
      %dma_wait3A_157 = tpu.memref_slice %arg11[%dma_wait3A_155, %dma_wait3A_156] : memref<576x32xi32, #tpu.memory_space<vmem>> -> memref<64x32xi32, #tpu.memory_space<vmem>>
      %dma_wait3A_158 = arith.constant 0 : i32
      %dma_wait3A_159 = arith.constant 0 : i32
      %dma_wait3A_160 = tpu.memref_slice %arg4[%dma_wait3A_158, %dma_wait3A_159] : memref<100001x32xi32, #tpu.memory_space<hbm>> -> memref<64x32xi32, #tpu.memory_space<hbm>>
      %dma_wait3A_161 = arith.constant 128 : i32
      %dma_wait3A_162 = arith.constant 0 : i32
      %dma_wait3A_163 = tpu.memref_slice %arg11[%dma_wait3A_161, %dma_wait3A_162] : memref<576x32xi32, #tpu.memory_space<vmem>> -> memref<64x32xi32, #tpu.memory_space<vmem>>
      %dma_wait3A_164 = arith.constant 0 : i32
      %dma_wait3A_165 = arith.constant 0 : i32
      %dma_wait3A_166 = tpu.memref_slice %arg4[%dma_wait3A_164, %dma_wait3A_165] : memref<100001x32xi32, #tpu.memory_space<hbm>> -> memref<64x32xi32, #tpu.memory_space<hbm>>
      tpu.wait_dma2 semaphore(%arg18 : memref<!tpu.dma_semaphore, #tpu.memory_space<semaphore_mem>>) src(%dma_wait3A_166 : memref<64x32xi32, #tpu.memory_space<hbm>>) dst(%dma_wait3A_163 : memref<64x32xi32, #tpu.memory_space<vmem>>)
      %dma_wait3A_167 = arith.constant 192 : i32
      %dma_wait3A_168 = arith.constant 0 : i32
      %dma_wait3A_169 = tpu.memref_slice %arg11[%dma_wait3A_167, %dma_wait3A_168] : memref<576x32xi32, #tpu.memory_space<vmem>> -> memref<64x32xi32, #tpu.memory_space<vmem>>
      %dma_wait3A_170 = arith.constant 0 : i32
      %dma_wait3A_171 = arith.constant 0 : i32
      %dma_wait3A_172 = tpu.memref_slice %arg4[%dma_wait3A_170, %dma_wait3A_171] : memref<100001x32xi32, #tpu.memory_space<hbm>> -> memref<64x32xi32, #tpu.memory_space<hbm>>
      %dma_wait3A_173 = arith.constant 192 : i32
      %dma_wait3A_174 = arith.constant 0 : i32
      %dma_wait3A_175 = tpu.memref_slice %arg11[%dma_wait3A_173, %dma_wait3A_174] : memref<576x32xi32, #tpu.memory_space<vmem>> -> memref<64x32xi32, #tpu.memory_space<vmem>>
      %dma_wait3A_176 = arith.constant 0 : i32
      %dma_wait3A_177 = arith.constant 0 : i32
      %dma_wait3A_178 = tpu.memref_slice %arg4[%dma_wait3A_176, %dma_wait3A_177] : memref<100001x32xi32, #tpu.memory_space<hbm>> -> memref<64x32xi32, #tpu.memory_space<hbm>>
      tpu.wait_dma2 semaphore(%arg18 : memref<!tpu.dma_semaphore, #tpu.memory_space<semaphore_mem>>) src(%dma_wait3A_178 : memref<64x32xi32, #tpu.memory_space<hbm>>) dst(%dma_wait3A_175 : memref<64x32xi32, #tpu.memory_space<vmem>>)
      %dma_wait3A_179 = arith.constant 256 : i32
      %dma_wait3A_180 = arith.constant 0 : i32
      %dma_wait3A_181 = tpu.memref_slice %arg11[%dma_wait3A_179, %dma_wait3A_180] : memref<576x32xi32, #tpu.memory_space<vmem>> -> memref<64x32xi32, #tpu.memory_space<vmem>>
      %dma_wait3A_182 = arith.constant 0 : i32
      %dma_wait3A_183 = arith.constant 0 : i32
      %dma_wait3A_184 = tpu.memref_slice %arg4[%dma_wait3A_182, %dma_wait3A_183] : memref<100001x32xi32, #tpu.memory_space<hbm>> -> memref<64x32xi32, #tpu.memory_space<hbm>>
      %dma_wait3A_185 = arith.constant 256 : i32
      %dma_wait3A_186 = arith.constant 0 : i32
      %dma_wait3A_187 = tpu.memref_slice %arg11[%dma_wait3A_185, %dma_wait3A_186] : memref<576x32xi32, #tpu.memory_space<vmem>> -> memref<64x32xi32, #tpu.memory_space<vmem>>
      %dma_wait3A_188 = arith.constant 0 : i32
      %dma_wait3A_189 = arith.constant 0 : i32
      %dma_wait3A_190 = tpu.memref_slice %arg4[%dma_wait3A_188, %dma_wait3A_189] : memref<100001x32xi32, #tpu.memory_space<hbm>> -> memref<64x32xi32, #tpu.memory_space<hbm>>
      tpu.wait_dma2 semaphore(%arg18 : memref<!tpu.dma_semaphore, #tpu.memory_space<semaphore_mem>>) src(%dma_wait3A_190 : memref<64x32xi32, #tpu.memory_space<hbm>>) dst(%dma_wait3A_187 : memref<64x32xi32, #tpu.memory_space<vmem>>)
      %dma_wait3A_191 = arith.constant 320 : i32
      %dma_wait3A_192 = arith.constant 0 : i32
      %dma_wait3A_193 = tpu.memref_slice %arg11[%dma_wait3A_191, %dma_wait3A_192] : memref<576x32xi32, #tpu.memory_space<vmem>> -> memref<64x32xi32, #tpu.memory_space<vmem>>
      %dma_wait3A_194 = arith.constant 0 : i32
      %dma_wait3A_195 = arith.constant 0 : i32
      %dma_wait3A_196 = tpu.memref_slice %arg4[%dma_wait3A_194, %dma_wait3A_195] : memref<100001x32xi32, #tpu.memory_space<hbm>> -> memref<64x32xi32, #tpu.memory_space<hbm>>
      %dma_wait3A_197 = arith.constant 320 : i32
      %dma_wait3A_198 = arith.constant 0 : i32
      %dma_wait3A_199 = tpu.memref_slice %arg11[%dma_wait3A_197, %dma_wait3A_198] : memref<576x32xi32, #tpu.memory_space<vmem>> -> memref<64x32xi32, #tpu.memory_space<vmem>>
      %dma_wait3A_200 = arith.constant 0 : i32
      %dma_wait3A_201 = arith.constant 0 : i32
      %dma_wait3A_202 = tpu.memref_slice %arg4[%dma_wait3A_200, %dma_wait3A_201] : memref<100001x32xi32, #tpu.memory_space<hbm>> -> memref<64x32xi32, #tpu.memory_space<hbm>>
      tpu.wait_dma2 semaphore(%arg18 : memref<!tpu.dma_semaphore, #tpu.memory_space<semaphore_mem>>) src(%dma_wait3A_202 : memref<64x32xi32, #tpu.memory_space<hbm>>) dst(%dma_wait3A_199 : memref<64x32xi32, #tpu.memory_space<vmem>>)
      %dma_wait3A_203 = arith.constant 384 : i32
      %dma_wait3A_204 = arith.constant 0 : i32
      %dma_wait3A_205 = tpu.memref_slice %arg11[%dma_wait3A_203, %dma_wait3A_204] : memref<576x32xi32, #tpu.memory_space<vmem>> -> memref<64x32xi32, #tpu.memory_space<vmem>>
      %dma_wait3A_206 = arith.constant 0 : i32
      %dma_wait3A_207 = arith.constant 0 : i32
      %dma_wait3A_208 = tpu.memref_slice %arg4[%dma_wait3A_206, %dma_wait3A_207] : memref<100001x32xi32, #tpu.memory_space<hbm>> -> memref<64x32xi32, #tpu.memory_space<hbm>>
      %dma_wait3A_209 = arith.constant 384 : i32
      %dma_wait3A_210 = arith.constant 0 : i32
      %dma_wait3A_211 = tpu.memref_slice %arg11[%dma_wait3A_209, %dma_wait3A_210] : memref<576x32xi32, #tpu.memory_space<vmem>> -> memref<64x32xi32, #tpu.memory_space<vmem>>
      %dma_wait3A_212 = arith.constant 0 : i32
      %dma_wait3A_213 = arith.constant 0 : i32
      %dma_wait3A_214 = tpu.memref_slice %arg4[%dma_wait3A_212, %dma_wait3A_213] : memref<100001x32xi32, #tpu.memory_space<hbm>> -> memref<64x32xi32, #tpu.memory_space<hbm>>
      tpu.wait_dma2 semaphore(%arg18 : memref<!tpu.dma_semaphore, #tpu.memory_space<semaphore_mem>>) src(%dma_wait3A_214 : memref<64x32xi32, #tpu.memory_space<hbm>>) dst(%dma_wait3A_211 : memref<64x32xi32, #tpu.memory_space<vmem>>)
      %dma_wait3A_215 = arith.constant 448 : i32
      %dma_wait3A_216 = arith.constant 0 : i32
      %dma_wait3A_217 = tpu.memref_slice %arg11[%dma_wait3A_215, %dma_wait3A_216] : memref<576x32xi32, #tpu.memory_space<vmem>> -> memref<64x32xi32, #tpu.memory_space<vmem>>
      %dma_wait3A_218 = arith.constant 0 : i32
      %dma_wait3A_219 = arith.constant 0 : i32
      %dma_wait3A_220 = tpu.memref_slice %arg4[%dma_wait3A_218, %dma_wait3A_219] : memref<100001x32xi32, #tpu.memory_space<hbm>> -> memref<64x32xi32, #tpu.memory_space<hbm>>
      %dma_wait3A_221 = arith.constant 448 : i32
      %dma_wait3A_222 = arith.constant 0 : i32
      %dma_wait3A_223 = tpu.memref_slice %arg11[%dma_wait3A_221, %dma_wait3A_222] : memref<576x32xi32, #tpu.memory_space<vmem>> -> memref<64x32xi32, #tpu.memory_space<vmem>>
      %dma_wait3A_224 = arith.constant 0 : i32
      %dma_wait3A_225 = arith.constant 0 : i32
      %dma_wait3A_226 = tpu.memref_slice %arg4[%dma_wait3A_224, %dma_wait3A_225] : memref<100001x32xi32, #tpu.memory_space<hbm>> -> memref<64x32xi32, #tpu.memory_space<hbm>>
      tpu.wait_dma2 semaphore(%arg18 : memref<!tpu.dma_semaphore, #tpu.memory_space<semaphore_mem>>) src(%dma_wait3A_226 : memref<64x32xi32, #tpu.memory_space<hbm>>) dst(%dma_wait3A_223 : memref<64x32xi32, #tpu.memory_space<vmem>>)
      %dma_wait3A_227 = arith.constant 512 : i32
      %dma_wait3A_228 = arith.constant 0 : i32
      %dma_wait3A_229 = tpu.memref_slice %arg11[%dma_wait3A_227, %dma_wait3A_228] : memref<576x32xi32, #tpu.memory_space<vmem>> -> memref<64x32xi32, #tpu.memory_space<vmem>>
      %dma_wait3A_230 = arith.constant 0 : i32
      %dma_wait3A_231 = arith.constant 0 : i32
      %dma_wait3A_232 = tpu.memref_slice %arg4[%dma_wait3A_230, %dma_wait3A_231] : memref<100001x32xi32, #tpu.memory_space<hbm>> -> memref<64x32xi32, #tpu.memory_space<hbm>>
      %dma_wait3A_233 = arith.constant 512 : i32
      %dma_wait3A_234 = arith.constant 0 : i32
      %dma_wait3A_235 = tpu.memref_slice %arg11[%dma_wait3A_233, %dma_wait3A_234] : memref<576x32xi32, #tpu.memory_space<vmem>> -> memref<64x32xi32, #tpu.memory_space<vmem>>
      %dma_wait3A_236 = arith.constant 0 : i32
      %dma_wait3A_237 = arith.constant 0 : i32
      %dma_wait3A_238 = tpu.memref_slice %arg4[%dma_wait3A_236, %dma_wait3A_237] : memref<100001x32xi32, #tpu.memory_space<hbm>> -> memref<64x32xi32, #tpu.memory_space<hbm>>
      tpu.wait_dma2 semaphore(%arg18 : memref<!tpu.dma_semaphore, #tpu.memory_space<semaphore_mem>>) src(%dma_wait3A_238 : memref<64x32xi32, #tpu.memory_space<hbm>>) dst(%dma_wait3A_235 : memref<64x32xi32, #tpu.memory_space<vmem>>)
      %dma_wait3A_239 = arith.constant 0 : i32
      %dma_wait3A_240 = arith.constant 0 : i32
      %dma_wait3A_241 = tpu.memref_slice %arg5[%dma_wait3A_239, %dma_wait3A_240] : memref<513x32xi32, #tpu.memory_space<hbm>> -> memref<64x32xi32, #tpu.memory_space<hbm>>
      %dma_wait3A_242 = arith.constant 0 : i32
      %dma_wait3A_243 = arith.constant 0 : i32
      %dma_wait3A_244 = tpu.memref_slice %arg5[%dma_wait3A_242, %dma_wait3A_243] : memref<513x32xi32, #tpu.memory_space<hbm>> -> memref<64x32xi32, #tpu.memory_space<hbm>>
      tpu.wait_dma2 semaphore(%arg18 : memref<!tpu.dma_semaphore, #tpu.memory_space<semaphore_mem>>) src(%dma_wait3A_244 : memref<64x32xi32, #tpu.memory_space<hbm>>) dst(%arg13 : memref<64x32xi32, #tpu.memory_space<vmem>>)
      %not3A = arith.constant true
      %not3A_245 = arith.xori %eq3A_130, %not3A : i1
      %convert_element_type3A = arith.extui %not3A_245 : i1 to i32
      %cond3A = arith.constant 0 : i32
      %cond3A_246 = arith.cmpi ne, %convert_element_type3A, %cond3A : i32
      scf.if %cond3A_246 {
        %add3A_476 = arith.constant 1 : i32
        %add3A_477 = arith.addi %add3A_129, %add3A_476 : i32
        %mul3A_478 = arith.constant 128 : i32
        %mul3A_479 = arith.muli %add3A_477, %mul3A_478 : i32
        %add3A_480 = arith.constant 0 : i32
        %add3A_481 = arith.addi %mul3A_479, %add3A_480 : i32
        %dma_start3A_482 = tpu.memref_slice %arg3[%add3A_481] : memref<131072xi32, #tpu.memory_space<hbm>> -> memref<64xi32, #tpu.memory_space<hbm>>
        %dma_start3A_483 = tpu.memref_slice %arg3[%add3A_481] : memref<131072xi32, #tpu.memory_space<hbm>> -> memref<64xi32, #tpu.memory_space<hbm>>
        tpu.enqueue_dma source(%dma_start3A_483 : memref<64xi32, #tpu.memory_space<hbm>>) target(%arg9 : memref<64xi32, #tpu.memory_space<vmem>>) target_semaphore(%arg16 : memref<!tpu.dma_semaphore, #tpu.memory_space<semaphore_mem>>)
      } else {
      }
      %dma_wait3A_247 = arith.constant 0 : i32
      %dma_wait3A_248 = tpu.memref_slice %arg3[%dma_wait3A_247] : memref<131072xi32, #tpu.memory_space<hbm>> -> memref<64xi32, #tpu.memory_space<hbm>>
      %dma_wait3A_249 = arith.constant 0 : i32
      %dma_wait3A_250 = tpu.memref_slice %arg3[%dma_wait3A_249] : memref<131072xi32, #tpu.memory_space<hbm>> -> memref<64xi32, #tpu.memory_space<hbm>>
      tpu.wait_dma2 semaphore(%arg17 : memref<!tpu.dma_semaphore, #tpu.memory_space<semaphore_mem>>) src(%dma_wait3A_250 : memref<64xi32, #tpu.memory_space<hbm>>) dst(%arg10 : memref<64xi32, #tpu.memory_space<vmem>>)
      %dma_start3A_251 = arith.constant 0 : i32
      %dma_start3A_252 = arith.constant 0 : i32
      %dma_start3A_253 = arith.constant 0 : i32
      %dma_start3A_254 = tpu.memref_slice %arg12[%dma_start3A_252, %dma_start3A_253] : memref<576x32xi32, #tpu.memory_space<vmem>> -> memref<64x32xi32, #tpu.memory_space<vmem>>
      %dma_start3A_255 = arith.constant 64 : i32
      %dma_start3A_256 = tpu.memref_slice %arg8[%dma_start3A_251, %scan3A_128, %dma_start3A_255] : memref<9x32x128xi32, #tpu.memory_space<vmem>> -> memref<1x1x64xi32, #tpu.memory_space<vmem>>
      %dma_start3A_257 = tpu.memref_squeeze %dma_start3A_256 : memref<1x1x64xi32, #tpu.memory_space<vmem>> -> memref<64xi32, #tpu.memory_space<vmem>>
      %dma_start3A_258 = arith.constant 0 : i32
      %dma_start3A_259 = arith.constant 0 : i32
      %dma_start3A_260 = tpu.memref_slice %arg4[%dma_start3A_258, %dma_start3A_259] : memref<100001x32xi32, #tpu.memory_space<hbm>> -> memref<100001x32xi32, #tpu.memory_space<hbm>>
      tpu.enqueue_indirect_dma source(%dma_start3A_260 : memref<100001x32xi32, #tpu.memory_space<hbm>>) target(%dma_start3A_254 : memref<64x32xi32, #tpu.memory_space<vmem>>) offsets(%dma_start3A_257 : memref<64xi32, #tpu.memory_space<vmem>>) semaphore(%arg19 : memref<!tpu.dma_semaphore, #tpu.memory_space<semaphore_mem>>)
      %dma_start3A_261 = arith.constant 1 : i32
      %dma_start3A_262 = arith.constant 64 : i32
      %dma_start3A_263 = arith.constant 0 : i32
      %dma_start3A_264 = tpu.memref_slice %arg12[%dma_start3A_262, %dma_start3A_263] : memref<576x32xi32, #tpu.memory_space<vmem>> -> memref<64x32xi32, #tpu.memory_space<vmem>>
      %dma_start3A_265 = arith.constant 64 : i32
      %dma_start3A_266 = tpu.memref_slice %arg8[%dma_start3A_261, %scan3A_128, %dma_start3A_265] : memref<9x32x128xi32, #tpu.memory_space<vmem>> -> memref<1x1x64xi32, #tpu.memory_space<vmem>>
      %dma_start3A_267 = tpu.memref_squeeze %dma_start3A_266 : memref<1x1x64xi32, #tpu.memory_space<vmem>> -> memref<64xi32, #tpu.memory_space<vmem>>
      %dma_start3A_268 = arith.constant 0 : i32
      %dma_start3A_269 = arith.constant 0 : i32
      %dma_start3A_270 = tpu.memref_slice %arg4[%dma_start3A_268, %dma_start3A_269] : memref<100001x32xi32, #tpu.memory_space<hbm>> -> memref<100001x32xi32, #tpu.memory_space<hbm>>
      tpu.enqueue_indirect_dma source(%dma_start3A_270 : memref<100001x32xi32, #tpu.memory_space<hbm>>) target(%dma_start3A_264 : memref<64x32xi32, #tpu.memory_space<vmem>>) offsets(%dma_start3A_267 : memref<64xi32, #tpu.memory_space<vmem>>) semaphore(%arg19 : memref<!tpu.dma_semaphore, #tpu.memory_space<semaphore_mem>>)
      %dma_start3A_271 = arith.constant 2 : i32
      %dma_start3A_272 = arith.constant 128 : i32
      %dma_start3A_273 = arith.constant 0 : i32
      %dma_start3A_274 = tpu.memref_slice %arg12[%dma_start3A_272, %dma_start3A_273] : memref<576x32xi32, #tpu.memory_space<vmem>> -> memref<64x32xi32, #tpu.memory_space<vmem>>
      %dma_start3A_275 = arith.constant 64 : i32
      %dma_start3A_276 = tpu.memref_slice %arg8[%dma_start3A_271, %scan3A_128, %dma_start3A_275] : memref<9x32x128xi32, #tpu.memory_space<vmem>> -> memref<1x1x64xi32, #tpu.memory_space<vmem>>
      %dma_start3A_277 = tpu.memref_squeeze %dma_start3A_276 : memref<1x1x64xi32, #tpu.memory_space<vmem>> -> memref<64xi32, #tpu.memory_space<vmem>>
      %dma_start3A_278 = arith.constant 0 : i32
      %dma_start3A_279 = arith.constant 0 : i32
      %dma_start3A_280 = tpu.memref_slice %arg4[%dma_start3A_278, %dma_start3A_279] : memref<100001x32xi32, #tpu.memory_space<hbm>> -> memref<100001x32xi32, #tpu.memory_space<hbm>>
      tpu.enqueue_indirect_dma source(%dma_start3A_280 : memref<100001x32xi32, #tpu.memory_space<hbm>>) target(%dma_start3A_274 : memref<64x32xi32, #tpu.memory_space<vmem>>) offsets(%dma_start3A_277 : memref<64xi32, #tpu.memory_space<vmem>>) semaphore(%arg19 : memref<!tpu.dma_semaphore, #tpu.memory_space<semaphore_mem>>)
      %dma_start3A_281 = arith.constant 3 : i32
      %dma_start3A_282 = arith.constant 192 : i32
      %dma_start3A_283 = arith.constant 0 : i32
      %dma_start3A_284 = tpu.memref_slice %arg12[%dma_start3A_282, %dma_start3A_283] : memref<576x32xi32, #tpu.memory_space<vmem>> -> memref<64x32xi32, #tpu.memory_space<vmem>>
      %dma_start3A_285 = arith.constant 64 : i32
      %dma_start3A_286 = tpu.memref_slice %arg8[%dma_start3A_281, %scan3A_128, %dma_start3A_285] : memref<9x32x128xi32, #tpu.memory_space<vmem>> -> memref<1x1x64xi32, #tpu.memory_space<vmem>>
      %dma_start3A_287 = tpu.memref_squeeze %dma_start3A_286 : memref<1x1x64xi32, #tpu.memory_space<vmem>> -> memref<64xi32, #tpu.memory_space<vmem>>
      %dma_start3A_288 = arith.constant 0 : i32
      %dma_start3A_289 = arith.constant 0 : i32
      %dma_start3A_290 = tpu.memref_slice %arg4[%dma_start3A_288, %dma_start3A_289] : memref<100001x32xi32, #tpu.memory_space<hbm>> -> memref<100001x32xi32, #tpu.memory_space<hbm>>
      tpu.enqueue_indirect_dma source(%dma_start3A_290 : memref<100001x32xi32, #tpu.memory_space<hbm>>) target(%dma_start3A_284 : memref<64x32xi32, #tpu.memory_space<vmem>>) offsets(%dma_start3A_287 : memref<64xi32, #tpu.memory_space<vmem>>) semaphore(%arg19 : memref<!tpu.dma_semaphore, #tpu.memory_space<semaphore_mem>>)
      %dma_start3A_291 = arith.constant 4 : i32
      %dma_start3A_292 = arith.constant 256 : i32
      %dma_start3A_293 = arith.constant 0 : i32
      %dma_start3A_294 = tpu.memref_slice %arg12[%dma_start3A_292, %dma_start3A_293] : memref<576x32xi32, #tpu.memory_space<vmem>> -> memref<64x32xi32, #tpu.memory_space<vmem>>
      %dma_start3A_295 = arith.constant 64 : i32
      %dma_start3A_296 = tpu.memref_slice %arg8[%dma_start3A_291, %scan3A_128, %dma_start3A_295] : memref<9x32x128xi32, #tpu.memory_space<vmem>> -> memref<1x1x64xi32, #tpu.memory_space<vmem>>
      %dma_start3A_297 = tpu.memref_squeeze %dma_start3A_296 : memref<1x1x64xi32, #tpu.memory_space<vmem>> -> memref<64xi32, #tpu.memory_space<vmem>>
      %dma_start3A_298 = arith.constant 0 : i32
      %dma_start3A_299 = arith.constant 0 : i32
      %dma_start3A_300 = tpu.memref_slice %arg4[%dma_start3A_298, %dma_start3A_299] : memref<100001x32xi32, #tpu.memory_space<hbm>> -> memref<100001x32xi32, #tpu.memory_space<hbm>>
      tpu.enqueue_indirect_dma source(%dma_start3A_300 : memref<100001x32xi32, #tpu.memory_space<hbm>>) target(%dma_start3A_294 : memref<64x32xi32, #tpu.memory_space<vmem>>) offsets(%dma_start3A_297 : memref<64xi32, #tpu.memory_space<vmem>>) semaphore(%arg19 : memref<!tpu.dma_semaphore, #tpu.memory_space<semaphore_mem>>)
      %dma_start3A_301 = arith.constant 5 : i32
      %dma_start3A_302 = arith.constant 320 : i32
      %dma_start3A_303 = arith.constant 0 : i32
      %dma_start3A_304 = tpu.memref_slice %arg12[%dma_start3A_302, %dma_start3A_303] : memref<576x32xi32, #tpu.memory_space<vmem>> -> memref<64x32xi32, #tpu.memory_space<vmem>>
      %dma_start3A_305 = arith.constant 64 : i32
      %dma_start3A_306 = tpu.memref_slice %arg8[%dma_start3A_301, %scan3A_128, %dma_start3A_305] : memref<9x32x128xi32, #tpu.memory_space<vmem>> -> memref<1x1x64xi32, #tpu.memory_space<vmem>>
      %dma_start3A_307 = tpu.memref_squeeze %dma_start3A_306 : memref<1x1x64xi32, #tpu.memory_space<vmem>> -> memref<64xi32, #tpu.memory_space<vmem>>
      %dma_start3A_308 = arith.constant 0 : i32
      %dma_start3A_309 = arith.constant 0 : i32
      %dma_start3A_310 = tpu.memref_slice %arg4[%dma_start3A_308, %dma_start3A_309] : memref<100001x32xi32, #tpu.memory_space<hbm>> -> memref<100001x32xi32, #tpu.memory_space<hbm>>
      tpu.enqueue_indirect_dma source(%dma_start3A_310 : memref<100001x32xi32, #tpu.memory_space<hbm>>) target(%dma_start3A_304 : memref<64x32xi32, #tpu.memory_space<vmem>>) offsets(%dma_start3A_307 : memref<64xi32, #tpu.memory_space<vmem>>) semaphore(%arg19 : memref<!tpu.dma_semaphore, #tpu.memory_space<semaphore_mem>>)
      %dma_start3A_311 = arith.constant 6 : i32
      %dma_start3A_312 = arith.constant 384 : i32
      %dma_start3A_313 = arith.constant 0 : i32
      %dma_start3A_314 = tpu.memref_slice %arg12[%dma_start3A_312, %dma_start3A_313] : memref<576x32xi32, #tpu.memory_space<vmem>> -> memref<64x32xi32, #tpu.memory_space<vmem>>
      %dma_start3A_315 = arith.constant 64 : i32
      %dma_start3A_316 = tpu.memref_slice %arg8[%dma_start3A_311, %scan3A_128, %dma_start3A_315] : memref<9x32x128xi32, #tpu.memory_space<vmem>> -> memref<1x1x64xi32, #tpu.memory_space<vmem>>
      %dma_start3A_317 = tpu.memref_squeeze %dma_start3A_316 : memref<1x1x64xi32, #tpu.memory_space<vmem>> -> memref<64xi32, #tpu.memory_space<vmem>>
      %dma_start3A_318 = arith.constant 0 : i32
      %dma_start3A_319 = arith.constant 0 : i32
      %dma_start3A_320 = tpu.memref_slice %arg4[%dma_start3A_318, %dma_start3A_319] : memref<100001x32xi32, #tpu.memory_space<hbm>> -> memref<100001x32xi32, #tpu.memory_space<hbm>>
      tpu.enqueue_indirect_dma source(%dma_start3A_320 : memref<100001x32xi32, #tpu.memory_space<hbm>>) target(%dma_start3A_314 : memref<64x32xi32, #tpu.memory_space<vmem>>) offsets(%dma_start3A_317 : memref<64xi32, #tpu.memory_space<vmem>>) semaphore(%arg19 : memref<!tpu.dma_semaphore, #tpu.memory_space<semaphore_mem>>)
      %dma_start3A_321 = arith.constant 7 : i32
      %dma_start3A_322 = arith.constant 448 : i32
      %dma_start3A_323 = arith.constant 0 : i32
      %dma_start3A_324 = tpu.memref_slice %arg12[%dma_start3A_322, %dma_start3A_323] : memref<576x32xi32, #tpu.memory_space<vmem>> -> memref<64x32xi32, #tpu.memory_space<vmem>>
      %dma_start3A_325 = arith.constant 64 : i32
      %dma_start3A_326 = tpu.memref_slice %arg8[%dma_start3A_321, %scan3A_128, %dma_start3A_325] : memref<9x32x128xi32, #tpu.memory_space<vmem>> -> memref<1x1x64xi32, #tpu.memory_space<vmem>>
      %dma_start3A_327 = tpu.memref_squeeze %dma_start3A_326 : memref<1x1x64xi32, #tpu.memory_space<vmem>> -> memref<64xi32, #tpu.memory_space<vmem>>
      %dma_start3A_328 = arith.constant 0 : i32
      %dma_start3A_329 = arith.constant 0 : i32
      %dma_start3A_330 = tpu.memref_slice %arg4[%dma_start3A_328, %dma_start3A_329] : memref<100001x32xi32, #tpu.memory_space<hbm>> -> memref<100001x32xi32, #tpu.memory_space<hbm>>
      tpu.enqueue_indirect_dma source(%dma_start3A_330 : memref<100001x32xi32, #tpu.memory_space<hbm>>) target(%dma_start3A_324 : memref<64x32xi32, #tpu.memory_space<vmem>>) offsets(%dma_start3A_327 : memref<64xi32, #tpu.memory_space<vmem>>) semaphore(%arg19 : memref<!tpu.dma_semaphore, #tpu.memory_space<semaphore_mem>>)
      %dma_start3A_331 = arith.constant 8 : i32
      %dma_start3A_332 = arith.constant 512 : i32
      %dma_start3A_333 = arith.constant 0 : i32
      %dma_start3A_334 = tpu.memref_slice %arg12[%dma_start3A_332, %dma_start3A_333] : memref<576x32xi32, #tpu.memory_space<vmem>> -> memref<64x32xi32, #tpu.memory_space<vmem>>
      %dma_start3A_335 = arith.constant 64 : i32
      %dma_start3A_336 = tpu.memref_slice %arg8[%dma_start3A_331, %scan3A_128, %dma_start3A_335] : memref<9x32x128xi32, #tpu.memory_space<vmem>> -> memref<1x1x64xi32, #tpu.memory_space<vmem>>
      %dma_start3A_337 = tpu.memref_squeeze %dma_start3A_336 : memref<1x1x64xi32, #tpu.memory_space<vmem>> -> memref<64xi32, #tpu.memory_space<vmem>>
      %dma_start3A_338 = arith.constant 0 : i32
      %dma_start3A_339 = arith.constant 0 : i32
      %dma_start3A_340 = tpu.memref_slice %arg4[%dma_start3A_338, %dma_start3A_339] : memref<100001x32xi32, #tpu.memory_space<hbm>> -> memref<100001x32xi32, #tpu.memory_space<hbm>>
      tpu.enqueue_indirect_dma source(%dma_start3A_340 : memref<100001x32xi32, #tpu.memory_space<hbm>>) target(%dma_start3A_334 : memref<64x32xi32, #tpu.memory_space<vmem>>) offsets(%dma_start3A_337 : memref<64xi32, #tpu.memory_space<vmem>>) semaphore(%arg19 : memref<!tpu.dma_semaphore, #tpu.memory_space<semaphore_mem>>)
      %dma_start3A_341 = arith.constant 0 : i32
      %dma_start3A_342 = arith.constant 0 : i32
      %dma_start3A_343 = tpu.memref_slice %arg5[%dma_start3A_341, %dma_start3A_342] : memref<513x32xi32, #tpu.memory_space<hbm>> -> memref<513x32xi32, #tpu.memory_space<hbm>>
      tpu.enqueue_indirect_dma source(%dma_start3A_343 : memref<513x32xi32, #tpu.memory_space<hbm>>) target(%arg14 : memref<64x32xi32, #tpu.memory_space<vmem>>) offsets(%arg10 : memref<64xi32, #tpu.memory_space<vmem>>) semaphore(%arg19 : memref<!tpu.dma_semaphore, #tpu.memory_space<semaphore_mem>>)
      %gt3A = arith.constant 0 : i32
      %gt3A_344 = arith.cmpi sgt, %scan3A_128, %gt3A : i32
      %convert_element_type3A_345 = arith.extui %gt3A_344 : i1 to i32
      %cond3A_346 = arith.constant 0 : i32
      %cond3A_347 = arith.cmpi ne, %convert_element_type3A_345, %cond3A_346 : i32
      scf.if %cond3A_347 {
        %dma_wait3A_476 = arith.constant 0 : i32
        %dma_wait3A_477 = tpu.memref_slice %arg7[%dma_wait3A_476] : memref<8454144xf32, #tpu.memory_space<hbm>> -> memref<8256xf32, #tpu.memory_space<hbm>>
        %dma_wait3A_478 = arith.constant 0 : i32
        %dma_wait3A_479 = tpu.memref_slice %arg7[%dma_wait3A_478] : memref<8454144xf32, #tpu.memory_space<hbm>> -> memref<8256xf32, #tpu.memory_space<hbm>>
        tpu.wait_dma2 semaphore(%arg20 : memref<!tpu.dma_semaphore, #tpu.memory_space<semaphore_mem>>) src(%arg15 : memref<8256xf32, #tpu.memory_space<vmem>>) dst(%dma_wait3A_479 : memref<8256xf32, #tpu.memory_space<hbm>>)
      } else {
      }
      %parallel_loop3A = arith.constant 0 : i32
      %parallel_loop3A_348 = arith.constant 64 : i32
      %parallel_loop3A_349 = arith.constant 1 : i32
      scf.for %parallel_loop3A_476 = %parallel_loop3A to %parallel_loop3A_348 step %parallel_loop3A_349  : i32 {
        %parallel_loop3A_477 = arith.constant 1 : i32
        %parallel_loop3A_478 = arith.addi %parallel_loop3A_477, %parallel_loop3A_476 : i32
        %parallel_loop3A_479 = arith.constant 64 : i32
        %parallel_loop3A_480 = arith.muli %parallel_loop3A_478, %parallel_loop3A_479 : i32
        %parallel_loop3A_481 = arith.index_cast %parallel_loop3A_476 : i32 to index
        %parallel_loop3A_482 = arith.constant 0 : index
        %parallel_loop3A_483 = tpu.vector_load %arg13[%parallel_loop3A_481, %parallel_loop3A_482] {strides = array<i32>} : memref<64x32xi32, #tpu.memory_space<vmem>>, vector<16xi32>,
        %parallel_loop3A_484 = arith.constant 16 : i32
        %parallel_loop3A_485 = vector.broadcast %parallel_loop3A_484 : i32 to vector<16xi32>
        %parallel_loop3A_486 = arith.shli %parallel_loop3A_483, %parallel_loop3A_485 : vector<16xi32>
        %parallel_loop3A_487 = vector.bitcast %parallel_loop3A_486 : vector<16xi32> to vector<16xf32>
        %parallel_loop3A_488 = vector.bitcast %parallel_loop3A_483 : vector<16xi32> to vector<16xf32>
        %parallel_loop3A_489 = arith.constant 0 : i32
        %parallel_loop3A_490 = arith.addi %parallel_loop3A_489, %parallel_loop3A_476 : i32
        %parallel_loop3A_491 = arith.index_cast %parallel_loop3A_490 : i32 to index
        %parallel_loop3A_492 = arith.constant 0 : index
        %parallel_loop3A_493 = tpu.vector_load %arg11[%parallel_loop3A_491, %parallel_loop3A_492] {strides = array<i32>} : memref<576x32xi32, #tpu.memory_space<vmem>>, vector<16xi32>,
        %parallel_loop3A_494 = arith.constant 16 : i32
        %parallel_loop3A_495 = vector.broadcast %parallel_loop3A_494 : i32 to vector<16xi32>
        %parallel_loop3A_496 = arith.shli %parallel_loop3A_493, %parallel_loop3A_495 : vector<16xi32>
        %parallel_loop3A_497 = vector.bitcast %parallel_loop3A_496 : vector<16xi32> to vector<16xf32>
        %parallel_loop3A_498 = arith.addf %parallel_loop3A_487, %parallel_loop3A_497 : vector<16xf32>
        %parallel_loop3A_499 = vector.bitcast %parallel_loop3A_493 : vector<16xi32> to vector<16xf32>
        %parallel_loop3A_500 = arith.addf %parallel_loop3A_488, %parallel_loop3A_499 : vector<16xf32>
        %parallel_loop3A_501 = arith.constant 64 : i32
        %parallel_loop3A_502 = arith.addi %parallel_loop3A_501, %parallel_loop3A_476 : i32
        %parallel_loop3A_503 = arith.index_cast %parallel_loop3A_502 : i32 to index
        %parallel_loop3A_504 = arith.constant 0 : index
        %parallel_loop3A_505 = tpu.vector_load %arg11[%parallel_loop3A_503, %parallel_loop3A_504] {strides = array<i32>} : memref<576x32xi32, #tpu.memory_space<vmem>>, vector<16xi32>,
        %parallel_loop3A_506 = arith.constant 16 : i32
        %parallel_loop3A_507 = vector.broadcast %parallel_loop3A_506 : i32 to vector<16xi32>
        %parallel_loop3A_508 = arith.shli %parallel_loop3A_505, %parallel_loop3A_507 : vector<16xi32>
        %parallel_loop3A_509 = vector.bitcast %parallel_loop3A_508 : vector<16xi32> to vector<16xf32>
        %parallel_loop3A_510 = arith.addf %parallel_loop3A_498, %parallel_loop3A_509 : vector<16xf32>
        %parallel_loop3A_511 = vector.bitcast %parallel_loop3A_505 : vector<16xi32> to vector<16xf32>
        %parallel_loop3A_512 = arith.addf %parallel_loop3A_500, %parallel_loop3A_511 : vector<16xf32>
        %parallel_loop3A_513 = arith.constant 128 : i32
        %parallel_loop3A_514 = arith.addi %parallel_loop3A_513, %parallel_loop3A_476 : i32
        %parallel_loop3A_515 = arith.index_cast %parallel_loop3A_514 : i32 to index
        %parallel_loop3A_516 = arith.constant 0 : index
        %parallel_loop3A_517 = tpu.vector_load %arg11[%parallel_loop3A_515, %parallel_loop3A_516] {strides = array<i32>} : memref<576x32xi32, #tpu.memory_space<vmem>>, vector<16xi32>,
        %parallel_loop3A_518 = arith.constant 16 : i32
        %parallel_loop3A_519 = vector.broadcast %parallel_loop3A_518 : i32 to vector<16xi32>
        %parallel_loop3A_520 = arith.shli %parallel_loop3A_517, %parallel_loop3A_519 : vector<16xi32>
        %parallel_loop3A_521 = vector.bitcast %parallel_loop3A_520 : vector<16xi32> to vector<16xf32>
        %parallel_loop3A_522 = arith.addf %parallel_loop3A_510, %parallel_loop3A_521 : vector<16xf32>
        %parallel_loop3A_523 = vector.bitcast %parallel_loop3A_517 : vector<16xi32> to vector<16xf32>
        %parallel_loop3A_524 = arith.addf %parallel_loop3A_512, %parallel_loop3A_523 : vector<16xf32>
        %parallel_loop3A_525 = arith.constant 192 : i32
        %parallel_loop3A_526 = arith.addi %parallel_loop3A_525, %parallel_loop3A_476 : i32
        %parallel_loop3A_527 = arith.index_cast %parallel_loop3A_526 : i32 to index
        %parallel_loop3A_528 = arith.constant 0 : index
        %parallel_loop3A_529 = tpu.vector_load %arg11[%parallel_loop3A_527, %parallel_loop3A_528] {strides = array<i32>} : memref<576x32xi32, #tpu.memory_space<vmem>>, vector<16xi32>,
        %parallel_loop3A_530 = arith.constant 16 : i32
        %parallel_loop3A_531 = vector.broadcast %parallel_loop3A_530 : i32 to vector<16xi32>
        %parallel_loop3A_532 = arith.shli %parallel_loop3A_529, %parallel_loop3A_531 : vector<16xi32>
        %parallel_loop3A_533 = vector.bitcast %parallel_loop3A_532 : vector<16xi32> to vector<16xf32>
        %parallel_loop3A_534 = arith.addf %parallel_loop3A_522, %parallel_loop3A_533 : vector<16xf32>
        %parallel_loop3A_535 = vector.bitcast %parallel_loop3A_529 : vector<16xi32> to vector<16xf32>
        %parallel_loop3A_536 = arith.addf %parallel_loop3A_524, %parallel_loop3A_535 : vector<16xf32>
        %parallel_loop3A_537 = arith.constant 256 : i32
        %parallel_loop3A_538 = arith.addi %parallel_loop3A_537, %parallel_loop3A_476 : i32
        %parallel_loop3A_539 = arith.index_cast %parallel_loop3A_538 : i32 to index
        %parallel_loop3A_540 = arith.constant 0 : index
        %parallel_loop3A_541 = tpu.vector_load %arg11[%parallel_loop3A_539, %parallel_loop3A_540] {strides = array<i32>} : memref<576x32xi32, #tpu.memory_space<vmem>>, vector<16xi32>,
        %parallel_loop3A_542 = arith.constant 16 : i32
        %parallel_loop3A_543 = vector.broadcast %parallel_loop3A_542 : i32 to vector<16xi32>
        %parallel_loop3A_544 = arith.shli %parallel_loop3A_541, %parallel_loop3A_543 : vector<16xi32>
        %parallel_loop3A_545 = vector.bitcast %parallel_loop3A_544 : vector<16xi32> to vector<16xf32>
        %parallel_loop3A_546 = arith.addf %parallel_loop3A_534, %parallel_loop3A_545 : vector<16xf32>
        %parallel_loop3A_547 = vector.bitcast %parallel_loop3A_541 : vector<16xi32> to vector<16xf32>
        %parallel_loop3A_548 = arith.addf %parallel_loop3A_536, %parallel_loop3A_547 : vector<16xf32>
        %parallel_loop3A_549 = arith.constant 320 : i32
        %parallel_loop3A_550 = arith.addi %parallel_loop3A_549, %parallel_loop3A_476 : i32
        %parallel_loop3A_551 = arith.index_cast %parallel_loop3A_550 : i32 to index
        %parallel_loop3A_552 = arith.constant 0 : index
        %parallel_loop3A_553 = tpu.vector_load %arg11[%parallel_loop3A_551, %parallel_loop3A_552] {strides = array<i32>} : memref<576x32xi32, #tpu.memory_space<vmem>>, vector<16xi32>,
        %parallel_loop3A_554 = arith.constant 16 : i32
        %parallel_loop3A_555 = vector.broadcast %parallel_loop3A_554 : i32 to vector<16xi32>
        %parallel_loop3A_556 = arith.shli %parallel_loop3A_553, %parallel_loop3A_555 : vector<16xi32>
        %parallel_loop3A_557 = vector.bitcast %parallel_loop3A_556 : vector<16xi32> to vector<16xf32>
        %parallel_loop3A_558 = arith.addf %parallel_loop3A_546, %parallel_loop3A_557 : vector<16xf32>
        %parallel_loop3A_559 = vector.bitcast %parallel_loop3A_553 : vector<16xi32> to vector<16xf32>
        %parallel_loop3A_560 = arith.addf %parallel_loop3A_548, %parallel_loop3A_559 : vector<16xf32>
        %parallel_loop3A_561 = arith.constant 384 : i32
        %parallel_loop3A_562 = arith.addi %parallel_loop3A_561, %parallel_loop3A_476 : i32
        %parallel_loop3A_563 = arith.index_cast %parallel_loop3A_562 : i32 to index
        %parallel_loop3A_564 = arith.constant 0 : index
        %parallel_loop3A_565 = tpu.vector_load %arg11[%parallel_loop3A_563, %parallel_loop3A_564] {strides = array<i32>} : memref<576x32xi32, #tpu.memory_space<vmem>>, vector<16xi32>,
        %parallel_loop3A_566 = arith.constant 16 : i32
        %parallel_loop3A_567 = vector.broadcast %parallel_loop3A_566 : i32 to vector<16xi32>
        %parallel_loop3A_568 = arith.shli %parallel_loop3A_565, %parallel_loop3A_567 : vector<16xi32>
        %parallel_loop3A_569 = vector.bitcast %parallel_loop3A_568 : vector<16xi32> to vector<16xf32>
        %parallel_loop3A_570 = arith.addf %parallel_loop3A_558, %parallel_loop3A_569 : vector<16xf32>
        %parallel_loop3A_571 = vector.bitcast %parallel_loop3A_565 : vector<16xi32> to vector<16xf32>
        %parallel_loop3A_572 = arith.addf %parallel_loop3A_560, %parallel_loop3A_571 : vector<16xf32>
        %parallel_loop3A_573 = arith.constant 448 : i32
        %parallel_loop3A_574 = arith.addi %parallel_loop3A_573, %parallel_loop3A_476 : i32
        %parallel_loop3A_575 = arith.index_cast %parallel_loop3A_574 : i32 to index
        %parallel_loop3A_576 = arith.constant 0 : index
        %parallel_loop3A_577 = tpu.vector_load %arg11[%parallel_loop3A_575, %parallel_loop3A_576] {strides = array<i32>} : memref<576x32xi32, #tpu.memory_space<vmem>>, vector<16xi32>,
        %parallel_loop3A_578 = arith.constant 16 : i32
        %parallel_loop3A_579 = vector.broadcast %parallel_loop3A_578 : i32 to vector<16xi32>
        %parallel_loop3A_580 = arith.shli %parallel_loop3A_577, %parallel_loop3A_579 : vector<16xi32>
        %parallel_loop3A_581 = vector.bitcast %parallel_loop3A_580 : vector<16xi32> to vector<16xf32>
        %parallel_loop3A_582 = arith.addf %parallel_loop3A_570, %parallel_loop3A_581 : vector<16xf32>
        %parallel_loop3A_583 = vector.bitcast %parallel_loop3A_577 : vector<16xi32> to vector<16xf32>
        %parallel_loop3A_584 = arith.addf %parallel_loop3A_572, %parallel_loop3A_583 : vector<16xf32>
        %parallel_loop3A_585 = arith.constant 512 : i32
        %parallel_loop3A_586 = arith.addi %parallel_loop3A_585, %parallel_loop3A_476 : i32
        %parallel_loop3A_587 = arith.index_cast %parallel_loop3A_586 : i32 to index
        %parallel_loop3A_588 = arith.constant 0 : index
        %parallel_loop3A_589 = tpu.vector_load %arg11[%parallel_loop3A_587, %parallel_loop3A_588] {strides = array<i32>} : memref<576x32xi32, #tpu.memory_space<vmem>>, vector<16xi32>,
        %parallel_loop3A_590 = arith.constant 16 : i32
        %parallel_loop3A_591 = vector.broadcast %parallel_loop3A_590 : i32 to vector<16xi32>
        %parallel_loop3A_592 = arith.shli %parallel_loop3A_589, %parallel_loop3A_591 : vector<16xi32>
        %parallel_loop3A_593 = vector.bitcast %parallel_loop3A_592 : vector<16xi32> to vector<16xf32>
        %parallel_loop3A_594 = arith.addf %parallel_loop3A_582, %parallel_loop3A_593 : vector<16xf32>
        %parallel_loop3A_595 = vector.bitcast %parallel_loop3A_589 : vector<16xi32> to vector<16xf32>
        %parallel_loop3A_596 = arith.addf %parallel_loop3A_584, %parallel_loop3A_595 : vector<16xf32>
        %parallel_loop3A_597 = arith.constant 0 : i32
        %parallel_loop3A_598 = arith.addi %parallel_loop3A_480, %parallel_loop3A_597 : i32
        %parallel_loop3A_599 = arith.index_cast %parallel_loop3A_598 : i32 to index
        %parallel_loop3A_600 = tpu.vector_load %arg15[%parallel_loop3A_599] {strides = array<i32>} : memref<8256xf32, #tpu.memory_space<vmem>>, vector<16xf32>,
        tpu.vector_store %arg15[%parallel_loop3A_599], %parallel_loop3A_594 {strides = array<i32>} : memref<8256xf32, #tpu.memory_space<vmem>>, vector<16xf32>,
        %parallel_loop3A_601 = arith.constant 0 : i32
        %parallel_loop3A_602 = arith.addi %parallel_loop3A_480, %parallel_loop3A_601 : i32
        %parallel_loop3A_603 = arith.constant 16 : i32
        %parallel_loop3A_604 = arith.addi %parallel_loop3A_602, %parallel_loop3A_603 : i32
        %parallel_loop3A_605 = arith.index_cast %parallel_loop3A_604 : i32 to index
        %parallel_loop3A_606 = tpu.vector_load %arg15[%parallel_loop3A_605] {strides = array<i32>} : memref<8256xf32, #tpu.memory_space<vmem>>, vector<16xf32>,
        tpu.vector_store %arg15[%parallel_loop3A_605], %parallel_loop3A_596 {strides = array<i32>} : memref<8256xf32, #tpu.memory_space<vmem>>, vector<16xf32>,
        %parallel_loop3A_607 = arith.index_cast %parallel_loop3A_476 : i32 to index
        %parallel_loop3A_608 = arith.constant 16 : index
        %parallel_loop3A_609 = tpu.vector_load %arg13[%parallel_loop3A_607, %parallel_loop3A_608] {strides = array<i32>} : memref<64x32xi32, #tpu.memory_space<vmem>>, vector<16xi32>,
        %parallel_loop3A_610 = arith.constant 16 : i32
        %parallel_loop3A_611 = vector.broadcast %parallel_loop3A_610 : i32 to vector<16xi32>
        %parallel_loop3A_612 = arith.shli %parallel_loop3A_609, %parallel_loop3A_611 : vector<16xi32>
        %parallel_loop3A_613 = vector.bitcast %parallel_loop3A_612 : vector<16xi32> to vector<16xf32>
        %parallel_loop3A_614 = vector.bitcast %parallel_loop3A_609 : vector<16xi32> to vector<16xf32>
        %parallel_loop3A_615 = arith.constant 0 : i32
        %parallel_loop3A_616 = arith.addi %parallel_loop3A_615, %parallel_loop3A_476 : i32
        %parallel_loop3A_617 = arith.index_cast %parallel_loop3A_616 : i32 to index
        %parallel_loop3A_618 = arith.constant 16 : index
        %parallel_loop3A_619 = tpu.vector_load %arg11[%parallel_loop3A_617, %parallel_loop3A_618] {strides = array<i32>} : memref<576x32xi32, #tpu.memory_space<vmem>>, vector<16xi32>,
        %parallel_loop3A_620 = arith.constant 16 : i32
        %parallel_loop3A_621 = vector.broadcast %parallel_loop3A_620 : i32 to vector<16xi32>
        %parallel_loop3A_622 = arith.shli %parallel_loop3A_619, %parallel_loop3A_621 : vector<16xi32>
        %parallel_loop3A_623 = vector.bitcast %parallel_loop3A_622 : vector<16xi32> to vector<16xf32>
        %parallel_loop3A_624 = arith.addf %parallel_loop3A_613, %parallel_loop3A_623 : vector<16xf32>
        %parallel_loop3A_625 = vector.bitcast %parallel_loop3A_619 : vector<16xi32> to vector<16xf32>
        %parallel_loop3A_626 = arith.addf %parallel_loop3A_614, %parallel_loop3A_625 : vector<16xf32>
        %parallel_loop3A_627 = arith.constant 64 : i32
        %parallel_loop3A_628 = arith.addi %parallel_loop3A_627, %parallel_loop3A_476 : i32
        %parallel_loop3A_629 = arith.index_cast %parallel_loop3A_628 : i32 to index
        %parallel_loop3A_630 = arith.constant 16 : index
        %parallel_loop3A_631 = tpu.vector_load %arg11[%parallel_loop3A_629, %parallel_loop3A_630] {strides = array<i32>} : memref<576x32xi32, #tpu.memory_space<vmem>>, vector<16xi32>,
        %parallel_loop3A_632 = arith.constant 16 : i32
        %parallel_loop3A_633 = vector.broadcast %parallel_loop3A_632 : i32 to vector<16xi32>
        %parallel_loop3A_634 = arith.shli %parallel_loop3A_631, %parallel_loop3A_633 : vector<16xi32>
        %parallel_loop3A_635 = vector.bitcast %parallel_loop3A_634 : vector<16xi32> to vector<16xf32>
        %parallel_loop3A_636 = arith.addf %parallel_loop3A_624, %parallel_loop3A_635 : vector<16xf32>
        %parallel_loop3A_637 = vector.bitcast %parallel_loop3A_631 : vector<16xi32> to vector<16xf32>
        %parallel_loop3A_638 = arith.addf %parallel_loop3A_626, %parallel_loop3A_637 : vector<16xf32>
        %parallel_loop3A_639 = arith.constant 128 : i32
        %parallel_loop3A_640 = arith.addi %parallel_loop3A_639, %parallel_loop3A_476 : i32
        %parallel_loop3A_641 = arith.index_cast %parallel_loop3A_640 : i32 to index
        %parallel_loop3A_642 = arith.constant 16 : index
        %parallel_loop3A_643 = tpu.vector_load %arg11[%parallel_loop3A_641, %parallel_loop3A_642] {strides = array<i32>} : memref<576x32xi32, #tpu.memory_space<vmem>>, vector<16xi32>,
        %parallel_loop3A_644 = arith.constant 16 : i32
        %parallel_loop3A_645 = vector.broadcast %parallel_loop3A_644 : i32 to vector<16xi32>
        %parallel_loop3A_646 = arith.shli %parallel_loop3A_643, %parallel_loop3A_645 : vector<16xi32>
        %parallel_loop3A_647 = vector.bitcast %parallel_loop3A_646 : vector<16xi32> to vector<16xf32>
        %parallel_loop3A_648 = arith.addf %parallel_loop3A_636, %parallel_loop3A_647 : vector<16xf32>
        %parallel_loop3A_649 = vector.bitcast %parallel_loop3A_643 : vector<16xi32> to vector<16xf32>
        %parallel_loop3A_650 = arith.addf %parallel_loop3A_638, %parallel_loop3A_649 : vector<16xf32>
        %parallel_loop3A_651 = arith.constant 192 : i32
        %parallel_loop3A_652 = arith.addi %parallel_loop3A_651, %parallel_loop3A_476 : i32
        %parallel_loop3A_653 = arith.index_cast %parallel_loop3A_652 : i32 to index
        %parallel_loop3A_654 = arith.constant 16 : index
        %parallel_loop3A_655 = tpu.vector_load %arg11[%parallel_loop3A_653, %parallel_loop3A_654] {strides = array<i32>} : memref<576x32xi32, #tpu.memory_space<vmem>>, vector<16xi32>,
        %parallel_loop3A_656 = arith.constant 16 : i32
        %parallel_loop3A_657 = vector.broadcast %parallel_loop3A_656 : i32 to vector<16xi32>
        %parallel_loop3A_658 = arith.shli %parallel_loop3A_655, %parallel_loop3A_657 : vector<16xi32>
        %parallel_loop3A_659 = vector.bitcast %parallel_loop3A_658 : vector<16xi32> to vector<16xf32>
        %parallel_loop3A_660 = arith.addf %parallel_loop3A_648, %parallel_loop3A_659 : vector<16xf32>
        %parallel_loop3A_661 = vector.bitcast %parallel_loop3A_655 : vector<16xi32> to vector<16xf32>
        %parallel_loop3A_662 = arith.addf %parallel_loop3A_650, %parallel_loop3A_661 : vector<16xf32>
        %parallel_loop3A_663 = arith.constant 256 : i32
        %parallel_loop3A_664 = arith.addi %parallel_loop3A_663, %parallel_loop3A_476 : i32
        %parallel_loop3A_665 = arith.index_cast %parallel_loop3A_664 : i32 to index
        %parallel_loop3A_666 = arith.constant 16 : index
        %parallel_loop3A_667 = tpu.vector_load %arg11[%parallel_loop3A_665, %parallel_loop3A_666] {strides = array<i32>} : memref<576x32xi32, #tpu.memory_space<vmem>>, vector<16xi32>,
        %parallel_loop3A_668 = arith.constant 16 : i32
        %parallel_loop3A_669 = vector.broadcast %parallel_loop3A_668 : i32 to vector<16xi32>
        %parallel_loop3A_670 = arith.shli %parallel_loop3A_667, %parallel_loop3A_669 : vector<16xi32>
        %parallel_loop3A_671 = vector.bitcast %parallel_loop3A_670 : vector<16xi32> to vector<16xf32>
        %parallel_loop3A_672 = arith.addf %parallel_loop3A_660, %parallel_loop3A_671 : vector<16xf32>
        %parallel_loop3A_673 = vector.bitcast %parallel_loop3A_667 : vector<16xi32> to vector<16xf32>
        %parallel_loop3A_674 = arith.addf %parallel_loop3A_662, %parallel_loop3A_673 : vector<16xf32>
        %parallel_loop3A_675 = arith.constant 320 : i32
        %parallel_loop3A_676 = arith.addi %parallel_loop3A_675, %parallel_loop3A_476 : i32
        %parallel_loop3A_677 = arith.index_cast %parallel_loop3A_676 : i32 to index
        %parallel_loop3A_678 = arith.constant 16 : index
        %parallel_loop3A_679 = tpu.vector_load %arg11[%parallel_loop3A_677, %parallel_loop3A_678] {strides = array<i32>} : memref<576x32xi32, #tpu.memory_space<vmem>>, vector<16xi32>,
        %parallel_loop3A_680 = arith.constant 16 : i32
        %parallel_loop3A_681 = vector.broadcast %parallel_loop3A_680 : i32 to vector<16xi32>
        %parallel_loop3A_682 = arith.shli %parallel_loop3A_679, %parallel_loop3A_681 : vector<16xi32>
        %parallel_loop3A_683 = vector.bitcast %parallel_loop3A_682 : vector<16xi32> to vector<16xf32>
        %parallel_loop3A_684 = arith.addf %parallel_loop3A_672, %parallel_loop3A_683 : vector<16xf32>
        %parallel_loop3A_685 = vector.bitcast %parallel_loop3A_679 : vector<16xi32> to vector<16xf32>
        %parallel_loop3A_686 = arith.addf %parallel_loop3A_674, %parallel_loop3A_685 : vector<16xf32>
        %parallel_loop3A_687 = arith.constant 384 : i32
        %parallel_loop3A_688 = arith.addi %parallel_loop3A_687, %parallel_loop3A_476 : i32
        %parallel_loop3A_689 = arith.index_cast %parallel_loop3A_688 : i32 to index
        %parallel_loop3A_690 = arith.constant 16 : index
        %parallel_loop3A_691 = tpu.vector_load %arg11[%parallel_loop3A_689, %parallel_loop3A_690] {strides = array<i32>} : memref<576x32xi32, #tpu.memory_space<vmem>>, vector<16xi32>,
        %parallel_loop3A_692 = arith.constant 16 : i32
        %parallel_loop3A_693 = vector.broadcast %parallel_loop3A_692 : i32 to vector<16xi32>
        %parallel_loop3A_694 = arith.shli %parallel_loop3A_691, %parallel_loop3A_693 : vector<16xi32>
        %parallel_loop3A_695 = vector.bitcast %parallel_loop3A_694 : vector<16xi32> to vector<16xf32>
        %parallel_loop3A_696 = arith.addf %parallel_loop3A_684, %parallel_loop3A_695 : vector<16xf32>
        %parallel_loop3A_697 = vector.bitcast %parallel_loop3A_691 : vector<16xi32> to vector<16xf32>
        %parallel_loop3A_698 = arith.addf %parallel_loop3A_686, %parallel_loop3A_697 : vector<16xf32>
        %parallel_loop3A_699 = arith.constant 448 : i32
        %parallel_loop3A_700 = arith.addi %parallel_loop3A_699, %parallel_loop3A_476 : i32
        %parallel_loop3A_701 = arith.index_cast %parallel_loop3A_700 : i32 to index
        %parallel_loop3A_702 = arith.constant 16 : index
        %parallel_loop3A_703 = tpu.vector_load %arg11[%parallel_loop3A_701, %parallel_loop3A_702] {strides = array<i32>} : memref<576x32xi32, #tpu.memory_space<vmem>>, vector<16xi32>,
        %parallel_loop3A_704 = arith.constant 16 : i32
        %parallel_loop3A_705 = vector.broadcast %parallel_loop3A_704 : i32 to vector<16xi32>
        %parallel_loop3A_706 = arith.shli %parallel_loop3A_703, %parallel_loop3A_705 : vector<16xi32>
        %parallel_loop3A_707 = vector.bitcast %parallel_loop3A_706 : vector<16xi32> to vector<16xf32>
        %parallel_loop3A_708 = arith.addf %parallel_loop3A_696, %parallel_loop3A_707 : vector<16xf32>
        %parallel_loop3A_709 = vector.bitcast %parallel_loop3A_703 : vector<16xi32> to vector<16xf32>
        %parallel_loop3A_710 = arith.addf %parallel_loop3A_698, %parallel_loop3A_709 : vector<16xf32>
        %parallel_loop3A_711 = arith.constant 512 : i32
        %parallel_loop3A_712 = arith.addi %parallel_loop3A_711, %parallel_loop3A_476 : i32
        %parallel_loop3A_713 = arith.index_cast %parallel_loop3A_712 : i32 to index
        %parallel_loop3A_714 = arith.constant 16 : index
        %parallel_loop3A_715 = tpu.vector_load %arg11[%parallel_loop3A_713, %parallel_loop3A_714] {strides = array<i32>} : memref<576x32xi32, #tpu.memory_space<vmem>>, vector<16xi32>,
        %parallel_loop3A_716 = arith.constant 16 : i32
        %parallel_loop3A_717 = vector.broadcast %parallel_loop3A_716 : i32 to vector<16xi32>
        %parallel_loop3A_718 = arith.shli %parallel_loop3A_715, %parallel_loop3A_717 : vector<16xi32>
        %parallel_loop3A_719 = vector.bitcast %parallel_loop3A_718 : vector<16xi32> to vector<16xf32>
        %parallel_loop3A_720 = arith.addf %parallel_loop3A_708, %parallel_loop3A_719 : vector<16xf32>
        %parallel_loop3A_721 = vector.bitcast %parallel_loop3A_715 : vector<16xi32> to vector<16xf32>
        %parallel_loop3A_722 = arith.addf %parallel_loop3A_710, %parallel_loop3A_721 : vector<16xf32>
        %parallel_loop3A_723 = arith.constant 32 : i32
        %parallel_loop3A_724 = arith.addi %parallel_loop3A_480, %parallel_loop3A_723 : i32
        %parallel_loop3A_725 = arith.index_cast %parallel_loop3A_724 : i32 to index
        %parallel_loop3A_726 = tpu.vector_load %arg15[%parallel_loop3A_725] {strides = array<i32>} : memref<8256xf32, #tpu.memory_space<vmem>>, vector<16xf32>,
        tpu.vector_store %arg15[%parallel_loop3A_725], %parallel_loop3A_720 {strides = array<i32>} : memref<8256xf32, #tpu.memory_space<vmem>>, vector<16xf32>,
        %parallel_loop3A_727 = arith.constant 32 : i32
        %parallel_loop3A_728 = arith.addi %parallel_loop3A_480, %parallel_loop3A_727 : i32
        %parallel_loop3A_729 = arith.constant 16 : i32
        %parallel_loop3A_730 = arith.addi %parallel_loop3A_728, %parallel_loop3A_729 : i32
        %parallel_loop3A_731 = arith.index_cast %parallel_loop3A_730 : i32 to index
        %parallel_loop3A_732 = tpu.vector_load %arg15[%parallel_loop3A_731] {strides = array<i32>} : memref<8256xf32, #tpu.memory_space<vmem>>, vector<16xf32>,
        tpu.vector_store %arg15[%parallel_loop3A_731], %parallel_loop3A_722 {strides = array<i32>} : memref<8256xf32, #tpu.memory_space<vmem>>, vector<16xf32>,
      } {sc.loop_unroll_factor = 2 : i64, sc.parallel_access}
      %dma_wait3A_350 = arith.constant 0 : i32
      %dma_wait3A_351 = arith.constant 0 : i32
      %dma_wait3A_352 = tpu.memref_slice %arg12[%dma_wait3A_350, %dma_wait3A_351] : memref<576x32xi32, #tpu.memory_space<vmem>> -> memref<64x32xi32, #tpu.memory_space<vmem>>
      %dma_wait3A_353 = arith.constant 0 : i32
      %dma_wait3A_354 = arith.constant 0 : i32
      %dma_wait3A_355 = tpu.memref_slice %arg4[%dma_wait3A_353, %dma_wait3A_354] : memref<100001x32xi32, #tpu.memory_space<hbm>> -> memref<64x32xi32, #tpu.memory_space<hbm>>
      %dma_wait3A_356 = arith.constant 0 : i32
      %dma_wait3A_357 = arith.constant 0 : i32
      %dma_wait3A_358 = tpu.memref_slice %arg12[%dma_wait3A_356, %dma_wait3A_357] : memref<576x32xi32, #tpu.memory_space<vmem>> -> memref<64x32xi32, #tpu.memory_space<vmem>>
      %dma_wait3A_359 = arith.constant 0 : i32
      %dma_wait3A_360 = arith.constant 0 : i32
      %dma_wait3A_361 = tpu.memref_slice %arg4[%dma_wait3A_359, %dma_wait3A_360] : memref<100001x32xi32, #tpu.memory_space<hbm>> -> memref<64x32xi32, #tpu.memory_space<hbm>>
      tpu.wait_dma2 semaphore(%arg19 : memref<!tpu.dma_semaphore, #tpu.memory_space<semaphore_mem>>) src(%dma_wait3A_361 : memref<64x32xi32, #tpu.memory_space<hbm>>) dst(%dma_wait3A_358 : memref<64x32xi32, #tpu.memory_space<vmem>>)
      %dma_wait3A_362 = arith.constant 64 : i32
      %dma_wait3A_363 = arith.constant 0 : i32
      %dma_wait3A_364 = tpu.memref_slice %arg12[%dma_wait3A_362, %dma_wait3A_363] : memref<576x32xi32, #tpu.memory_space<vmem>> -> memref<64x32xi32, #tpu.memory_space<vmem>>
      %dma_wait3A_365 = arith.constant 0 : i32
      %dma_wait3A_366 = arith.constant 0 : i32
      %dma_wait3A_367 = tpu.memref_slice %arg4[%dma_wait3A_365, %dma_wait3A_366] : memref<100001x32xi32, #tpu.memory_space<hbm>> -> memref<64x32xi32, #tpu.memory_space<hbm>>
      %dma_wait3A_368 = arith.constant 64 : i32
      %dma_wait3A_369 = arith.constant 0 : i32
      %dma_wait3A_370 = tpu.memref_slice %arg12[%dma_wait3A_368, %dma_wait3A_369] : memref<576x32xi32, #tpu.memory_space<vmem>> -> memref<64x32xi32, #tpu.memory_space<vmem>>
      %dma_wait3A_371 = arith.constant 0 : i32
      %dma_wait3A_372 = arith.constant 0 : i32
      %dma_wait3A_373 = tpu.memref_slice %arg4[%dma_wait3A_371, %dma_wait3A_372] : memref<100001x32xi32, #tpu.memory_space<hbm>> -> memref<64x32xi32, #tpu.memory_space<hbm>>
      tpu.wait_dma2 semaphore(%arg19 : memref<!tpu.dma_semaphore, #tpu.memory_space<semaphore_mem>>) src(%dma_wait3A_373 : memref<64x32xi32, #tpu.memory_space<hbm>>) dst(%dma_wait3A_370 : memref<64x32xi32, #tpu.memory_space<vmem>>)
      %dma_wait3A_374 = arith.constant 128 : i32
      %dma_wait3A_375 = arith.constant 0 : i32
      %dma_wait3A_376 = tpu.memref_slice %arg12[%dma_wait3A_374, %dma_wait3A_375] : memref<576x32xi32, #tpu.memory_space<vmem>> -> memref<64x32xi32, #tpu.memory_space<vmem>>
      %dma_wait3A_377 = arith.constant 0 : i32
      %dma_wait3A_378 = arith.constant 0 : i32
      %dma_wait3A_379 = tpu.memref_slice %arg4[%dma_wait3A_377, %dma_wait3A_378] : memref<100001x32xi32, #tpu.memory_space<hbm>> -> memref<64x32xi32, #tpu.memory_space<hbm>>
      %dma_wait3A_380 = arith.constant 128 : i32
      %dma_wait3A_381 = arith.constant 0 : i32
      %dma_wait3A_382 = tpu.memref_slice %arg12[%dma_wait3A_380, %dma_wait3A_381] : memref<576x32xi32, #tpu.memory_space<vmem>> -> memref<64x32xi32, #tpu.memory_space<vmem>>
      %dma_wait3A_383 = arith.constant 0 : i32
      %dma_wait3A_384 = arith.constant 0 : i32
      %dma_wait3A_385 = tpu.memref_slice %arg4[%dma_wait3A_383, %dma_wait3A_384] : memref<100001x32xi32, #tpu.memory_space<hbm>> -> memref<64x32xi32, #tpu.memory_space<hbm>>
      tpu.wait_dma2 semaphore(%arg19 : memref<!tpu.dma_semaphore, #tpu.memory_space<semaphore_mem>>) src(%dma_wait3A_385 : memref<64x32xi32, #tpu.memory_space<hbm>>) dst(%dma_wait3A_382 : memref<64x32xi32, #tpu.memory_space<vmem>>)
      %dma_wait3A_386 = arith.constant 192 : i32
      %dma_wait3A_387 = arith.constant 0 : i32
      %dma_wait3A_388 = tpu.memref_slice %arg12[%dma_wait3A_386, %dma_wait3A_387] : memref<576x32xi32, #tpu.memory_space<vmem>> -> memref<64x32xi32, #tpu.memory_space<vmem>>
      %dma_wait3A_389 = arith.constant 0 : i32
      %dma_wait3A_390 = arith.constant 0 : i32
      %dma_wait3A_391 = tpu.memref_slice %arg4[%dma_wait3A_389, %dma_wait3A_390] : memref<100001x32xi32, #tpu.memory_space<hbm>> -> memref<64x32xi32, #tpu.memory_space<hbm>>
      %dma_wait3A_392 = arith.constant 192 : i32
      %dma_wait3A_393 = arith.constant 0 : i32
      %dma_wait3A_394 = tpu.memref_slice %arg12[%dma_wait3A_392, %dma_wait3A_393] : memref<576x32xi32, #tpu.memory_space<vmem>> -> memref<64x32xi32, #tpu.memory_space<vmem>>
      %dma_wait3A_395 = arith.constant 0 : i32
      %dma_wait3A_396 = arith.constant 0 : i32
      %dma_wait3A_397 = tpu.memref_slice %arg4[%dma_wait3A_395, %dma_wait3A_396] : memref<100001x32xi32, #tpu.memory_space<hbm>> -> memref<64x32xi32, #tpu.memory_space<hbm>>
      tpu.wait_dma2 semaphore(%arg19 : memref<!tpu.dma_semaphore, #tpu.memory_space<semaphore_mem>>) src(%dma_wait3A_397 : memref<64x32xi32, #tpu.memory_space<hbm>>) dst(%dma_wait3A_394 : memref<64x32xi32, #tpu.memory_space<vmem>>)
      %dma_wait3A_398 = arith.constant 256 : i32
      %dma_wait3A_399 = arith.constant 0 : i32
      %dma_wait3A_400 = tpu.memref_slice %arg12[%dma_wait3A_398, %dma_wait3A_399] : memref<576x32xi32, #tpu.memory_space<vmem>> -> memref<64x32xi32, #tpu.memory_space<vmem>>
      %dma_wait3A_401 = arith.constant 0 : i32
      %dma_wait3A_402 = arith.constant 0 : i32
      %dma_wait3A_403 = tpu.memref_slice %arg4[%dma_wait3A_401, %dma_wait3A_402] : memref<100001x32xi32, #tpu.memory_space<hbm>> -> memref<64x32xi32, #tpu.memory_space<hbm>>
      %dma_wait3A_404 = arith.constant 256 : i32
      %dma_wait3A_405 = arith.constant 0 : i32
      %dma_wait3A_406 = tpu.memref_slice %arg12[%dma_wait3A_404, %dma_wait3A_405] : memref<576x32xi32, #tpu.memory_space<vmem>> -> memref<64x32xi32, #tpu.memory_space<vmem>>
      %dma_wait3A_407 = arith.constant 0 : i32
      %dma_wait3A_408 = arith.constant 0 : i32
      %dma_wait3A_409 = tpu.memref_slice %arg4[%dma_wait3A_407, %dma_wait3A_408] : memref<100001x32xi32, #tpu.memory_space<hbm>> -> memref<64x32xi32, #tpu.memory_space<hbm>>
      tpu.wait_dma2 semaphore(%arg19 : memref<!tpu.dma_semaphore, #tpu.memory_space<semaphore_mem>>) src(%dma_wait3A_409 : memref<64x32xi32, #tpu.memory_space<hbm>>) dst(%dma_wait3A_406 : memref<64x32xi32, #tpu.memory_space<vmem>>)
      %dma_wait3A_410 = arith.constant 320 : i32
      %dma_wait3A_411 = arith.constant 0 : i32
      %dma_wait3A_412 = tpu.memref_slice %arg12[%dma_wait3A_410, %dma_wait3A_411] : memref<576x32xi32, #tpu.memory_space<vmem>> -> memref<64x32xi32, #tpu.memory_space<vmem>>
      %dma_wait3A_413 = arith.constant 0 : i32
      %dma_wait3A_414 = arith.constant 0 : i32
      %dma_wait3A_415 = tpu.memref_slice %arg4[%dma_wait3A_413, %dma_wait3A_414] : memref<100001x32xi32, #tpu.memory_space<hbm>> -> memref<64x32xi32, #tpu.memory_space<hbm>>
      %dma_wait3A_416 = arith.constant 320 : i32
      %dma_wait3A_417 = arith.constant 0 : i32
      %dma_wait3A_418 = tpu.memref_slice %arg12[%dma_wait3A_416, %dma_wait3A_417] : memref<576x32xi32, #tpu.memory_space<vmem>> -> memref<64x32xi32, #tpu.memory_space<vmem>>
      %dma_wait3A_419 = arith.constant 0 : i32
      %dma_wait3A_420 = arith.constant 0 : i32
      %dma_wait3A_421 = tpu.memref_slice %arg4[%dma_wait3A_419, %dma_wait3A_420] : memref<100001x32xi32, #tpu.memory_space<hbm>> -> memref<64x32xi32, #tpu.memory_space<hbm>>
      tpu.wait_dma2 semaphore(%arg19 : memref<!tpu.dma_semaphore, #tpu.memory_space<semaphore_mem>>) src(%dma_wait3A_421 : memref<64x32xi32, #tpu.memory_space<hbm>>) dst(%dma_wait3A_418 : memref<64x32xi32, #tpu.memory_space<vmem>>)
      %dma_wait3A_422 = arith.constant 384 : i32
      %dma_wait3A_423 = arith.constant 0 : i32
      %dma_wait3A_424 = tpu.memref_slice %arg12[%dma_wait3A_422, %dma_wait3A_423] : memref<576x32xi32, #tpu.memory_space<vmem>> -> memref<64x32xi32, #tpu.memory_space<vmem>>
      %dma_wait3A_425 = arith.constant 0 : i32
      %dma_wait3A_426 = arith.constant 0 : i32
      %dma_wait3A_427 = tpu.memref_slice %arg4[%dma_wait3A_425, %dma_wait3A_426] : memref<100001x32xi32, #tpu.memory_space<hbm>> -> memref<64x32xi32, #tpu.memory_space<hbm>>
      %dma_wait3A_428 = arith.constant 384 : i32
      %dma_wait3A_429 = arith.constant 0 : i32
      %dma_wait3A_430 = tpu.memref_slice %arg12[%dma_wait3A_428, %dma_wait3A_429] : memref<576x32xi32, #tpu.memory_space<vmem>> -> memref<64x32xi32, #tpu.memory_space<vmem>>
      %dma_wait3A_431 = arith.constant 0 : i32
      %dma_wait3A_432 = arith.constant 0 : i32
      %dma_wait3A_433 = tpu.memref_slice %arg4[%dma_wait3A_431, %dma_wait3A_432] : memref<100001x32xi32, #tpu.memory_space<hbm>> -> memref<64x32xi32, #tpu.memory_space<hbm>>
      tpu.wait_dma2 semaphore(%arg19 : memref<!tpu.dma_semaphore, #tpu.memory_space<semaphore_mem>>) src(%dma_wait3A_433 : memref<64x32xi32, #tpu.memory_space<hbm>>) dst(%dma_wait3A_430 : memref<64x32xi32, #tpu.memory_space<vmem>>)
      %dma_wait3A_434 = arith.constant 448 : i32
      %dma_wait3A_435 = arith.constant 0 : i32
      %dma_wait3A_436 = tpu.memref_slice %arg12[%dma_wait3A_434, %dma_wait3A_435] : memref<576x32xi32, #tpu.memory_space<vmem>> -> memref<64x32xi32, #tpu.memory_space<vmem>>
      %dma_wait3A_437 = arith.constant 0 : i32
      %dma_wait3A_438 = arith.constant 0 : i32
      %dma_wait3A_439 = tpu.memref_slice %arg4[%dma_wait3A_437, %dma_wait3A_438] : memref<100001x32xi32, #tpu.memory_space<hbm>> -> memref<64x32xi32, #tpu.memory_space<hbm>>
      %dma_wait3A_440 = arith.constant 448 : i32
      %dma_wait3A_441 = arith.constant 0 : i32
      %dma_wait3A_442 = tpu.memref_slice %arg12[%dma_wait3A_440, %dma_wait3A_441] : memref<576x32xi32, #tpu.memory_space<vmem>> -> memref<64x32xi32, #tpu.memory_space<vmem>>
      %dma_wait3A_443 = arith.constant 0 : i32
      %dma_wait3A_444 = arith.constant 0 : i32
      %dma_wait3A_445 = tpu.memref_slice %arg4[%dma_wait3A_443, %dma_wait3A_444] : memref<100001x32xi32, #tpu.memory_space<hbm>> -> memref<64x32xi32, #tpu.memory_space<hbm>>
      tpu.wait_dma2 semaphore(%arg19 : memref<!tpu.dma_semaphore, #tpu.memory_space<semaphore_mem>>) src(%dma_wait3A_445 : memref<64x32xi32, #tpu.memory_space<hbm>>) dst(%dma_wait3A_442 : memref<64x32xi32, #tpu.memory_space<vmem>>)
      %dma_wait3A_446 = arith.constant 512 : i32
      %dma_wait3A_447 = arith.constant 0 : i32
      %dma_wait3A_448 = tpu.memref_slice %arg12[%dma_wait3A_446, %dma_wait3A_447] : memref<576x32xi32, #tpu.memory_space<vmem>> -> memref<64x32xi32, #tpu.memory_space<vmem>>
      %dma_wait3A_449 = arith.constant 0 : i32
      %dma_wait3A_450 = arith.constant 0 : i32
      %dma_wait3A_451 = tpu.memref_slice %arg4[%dma_wait3A_449, %dma_wait3A_450] : memref<100001x32xi32, #tpu.memory_space<hbm>> -> memref<64x32xi32, #tpu.memory_space<hbm>>
      %dma_wait3A_452 = arith.constant 512 : i32
      %dma_wait3A_453 = arith.constant 0 : i32
      %dma_wait3A_454 = tpu.memref_slice %arg12[%dma_wait3A_452, %dma_wait3A_453] : memref<576x32xi32, #tpu.memory_space<vmem>> -> memref<64x32xi32, #tpu.memory_space<vmem>>
      %dma_wait3A_455 = arith.constant 0 : i32
      %dma_wait3A_456 = arith.constant 0 : i32
      %dma_wait3A_457 = tpu.memref_slice %arg4[%dma_wait3A_455, %dma_wait3A_456] : memref<100001x32xi32, #tpu.memory_space<hbm>> -> memref<64x32xi32, #tpu.memory_space<hbm>>
      tpu.wait_dma2 semaphore(%arg19 : memref<!tpu.dma_semaphore, #tpu.memory_space<semaphore_mem>>) src(%dma_wait3A_457 : memref<64x32xi32, #tpu.memory_space<hbm>>) dst(%dma_wait3A_454 : memref<64x32xi32, #tpu.memory_space<vmem>>)
      %dma_wait3A_458 = arith.constant 0 : i32
      %dma_wait3A_459 = arith.constant 0 : i32
      %dma_wait3A_460 = tpu.memref_slice %arg5[%dma_wait3A_458, %dma_wait3A_459] : memref<513x32xi32, #tpu.memory_space<hbm>> -> memref<64x32xi32, #tpu.memory_space<hbm>>
      %dma_wait3A_461 = arith.constant 0 : i32
      %dma_wait3A_462 = arith.constant 0 : i32
      %dma_wait3A_463 = tpu.memref_slice %arg5[%dma_wait3A_461, %dma_wait3A_462] : memref<513x32xi32, #tpu.memory_space<hbm>> -> memref<64x32xi32, #tpu.memory_space<hbm>>
      tpu.wait_dma2 semaphore(%arg19 : memref<!tpu.dma_semaphore, #tpu.memory_space<semaphore_mem>>) src(%dma_wait3A_463 : memref<64x32xi32, #tpu.memory_space<hbm>>) dst(%arg14 : memref<64x32xi32, #tpu.memory_space<vmem>>)
      %not3A_464 = arith.constant true
      %not3A_465 = arith.xori %eq3A_130, %not3A_464 : i1
      %convert_element_type3A_466 = arith.extui %not3A_465 : i1 to i32
      %cond3A_467 = arith.constant 0 : i32
      %cond3A_468 = arith.cmpi ne, %convert_element_type3A_466, %cond3A_467 : i32
      scf.if %cond3A_468 {
        %add3A_476 = arith.constant 1 : i32
        %add3A_477 = arith.addi %add3A_129, %add3A_476 : i32
        %mul3A_478 = arith.constant 128 : i32
        %mul3A_479 = arith.muli %add3A_477, %mul3A_478 : i32
        %add3A_480 = arith.constant 64 : i32
        %add3A_481 = arith.addi %mul3A_479, %add3A_480 : i32
        %dma_start3A_482 = tpu.memref_slice %arg3[%add3A_481] : memref<131072xi32, #tpu.memory_space<hbm>> -> memref<64xi32, #tpu.memory_space<hbm>>
        %dma_start3A_483 = tpu.memref_slice %arg3[%add3A_481] : memref<131072xi32, #tpu.memory_space<hbm>> -> memref<64xi32, #tpu.memory_space<hbm>>
        tpu.enqueue_dma source(%dma_start3A_483 : memref<64xi32, #tpu.memory_space<hbm>>) target(%arg10 : memref<64xi32, #tpu.memory_space<vmem>>) target_semaphore(%arg17 : memref<!tpu.dma_semaphore, #tpu.memory_space<semaphore_mem>>)
        %dma_wait3A_484 = arith.constant 0 : i32
        %dma_wait3A_485 = tpu.memref_slice %arg3[%dma_wait3A_484] : memref<131072xi32, #tpu.memory_space<hbm>> -> memref<64xi32, #tpu.memory_space<hbm>>
        %dma_wait3A_486 = arith.constant 0 : i32
        %dma_wait3A_487 = tpu.memref_slice %arg3[%dma_wait3A_486] : memref<131072xi32, #tpu.memory_space<hbm>> -> memref<64xi32, #tpu.memory_space<hbm>>
        tpu.wait_dma2 semaphore(%arg16 : memref<!tpu.dma_semaphore, #tpu.memory_space<semaphore_mem>>) src(%dma_wait3A_487 : memref<64xi32, #tpu.memory_space<hbm>>) dst(%arg9 : memref<64xi32, #tpu.memory_space<vmem>>)
        %add3A_488 = arith.constant 1 : i32
        %add3A_489 = arith.addi %scan3A_128, %add3A_488 : i32
        %dma_start3A_490 = arith.constant 0 : i32
        %dma_start3A_491 = arith.constant 0 : i32
        %dma_start3A_492 = arith.constant 0 : i32
        %dma_start3A_493 = tpu.memref_slice %arg11[%dma_start3A_491, %dma_start3A_492] : memref<576x32xi32, #tpu.memory_space<vmem>> -> memref<64x32xi32, #tpu.memory_space<vmem>>
        %dma_start3A_494 = arith.constant 0 : i32
        %dma_start3A_495 = tpu.memref_slice %arg8[%dma_start3A_490, %add3A_489, %dma_start3A_494] : memref<9x32x128xi32, #tpu.memory_space<vmem>> -> memref<1x1x64xi32, #tpu.memory_space<vmem>>
        %dma_start3A_496 = tpu.memref_squeeze %dma_start3A_495 : memref<1x1x64xi32, #tpu.memory_space<vmem>> -> memref<64xi32, #tpu.memory_space<vmem>>
        %dma_start3A_497 = arith.constant 0 : i32
        %dma_start3A_498 = arith.constant 0 : i32
        %dma_start3A_499 = tpu.memref_slice %arg4[%dma_start3A_497, %dma_start3A_498] : memref<100001x32xi32, #tpu.memory_space<hbm>> -> memref<100001x32xi32, #tpu.memory_space<hbm>>
        tpu.enqueue_indirect_dma source(%dma_start3A_499 : memref<100001x32xi32, #tpu.memory_space<hbm>>) target(%dma_start3A_493 : memref<64x32xi32, #tpu.memory_space<vmem>>) offsets(%dma_start3A_496 : memref<64xi32, #tpu.memory_space<vmem>>) semaphore(%arg18 : memref<!tpu.dma_semaphore, #tpu.memory_space<semaphore_mem>>)
        %dma_start3A_500 = arith.constant 1 : i32
        %dma_start3A_501 = arith.constant 64 : i32
        %dma_start3A_502 = arith.constant 0 : i32
        %dma_start3A_503 = tpu.memref_slice %arg11[%dma_start3A_501, %dma_start3A_502] : memref<576x32xi32, #tpu.memory_space<vmem>> -> memref<64x32xi32, #tpu.memory_space<vmem>>
        %dma_start3A_504 = arith.constant 0 : i32
        %dma_start3A_505 = tpu.memref_slice %arg8[%dma_start3A_500, %add3A_489, %dma_start3A_504] : memref<9x32x128xi32, #tpu.memory_space<vmem>> -> memref<1x1x64xi32, #tpu.memory_space<vmem>>
        %dma_start3A_506 = tpu.memref_squeeze %dma_start3A_505 : memref<1x1x64xi32, #tpu.memory_space<vmem>> -> memref<64xi32, #tpu.memory_space<vmem>>
        %dma_start3A_507 = arith.constant 0 : i32
        %dma_start3A_508 = arith.constant 0 : i32
        %dma_start3A_509 = tpu.memref_slice %arg4[%dma_start3A_507, %dma_start3A_508] : memref<100001x32xi32, #tpu.memory_space<hbm>> -> memref<100001x32xi32, #tpu.memory_space<hbm>>
        tpu.enqueue_indirect_dma source(%dma_start3A_509 : memref<100001x32xi32, #tpu.memory_space<hbm>>) target(%dma_start3A_503 : memref<64x32xi32, #tpu.memory_space<vmem>>) offsets(%dma_start3A_506 : memref<64xi32, #tpu.memory_space<vmem>>) semaphore(%arg18 : memref<!tpu.dma_semaphore, #tpu.memory_space<semaphore_mem>>)
        %dma_start3A_510 = arith.constant 2 : i32
        %dma_start3A_511 = arith.constant 128 : i32
        %dma_start3A_512 = arith.constant 0 : i32
        %dma_start3A_513 = tpu.memref_slice %arg11[%dma_start3A_511, %dma_start3A_512] : memref<576x32xi32, #tpu.memory_space<vmem>> -> memref<64x32xi32, #tpu.memory_space<vmem>>
        %dma_start3A_514 = arith.constant 0 : i32
        %dma_start3A_515 = tpu.memref_slice %arg8[%dma_start3A_510, %add3A_489, %dma_start3A_514] : memref<9x32x128xi32, #tpu.memory_space<vmem>> -> memref<1x1x64xi32, #tpu.memory_space<vmem>>
        %dma_start3A_516 = tpu.memref_squeeze %dma_start3A_515 : memref<1x1x64xi32, #tpu.memory_space<vmem>> -> memref<64xi32, #tpu.memory_space<vmem>>
        %dma_start3A_517 = arith.constant 0 : i32
        %dma_start3A_518 = arith.constant 0 : i32
        %dma_start3A_519 = tpu.memref_slice %arg4[%dma_start3A_517, %dma_start3A_518] : memref<100001x32xi32, #tpu.memory_space<hbm>> -> memref<100001x32xi32, #tpu.memory_space<hbm>>
        tpu.enqueue_indirect_dma source(%dma_start3A_519 : memref<100001x32xi32, #tpu.memory_space<hbm>>) target(%dma_start3A_513 : memref<64x32xi32, #tpu.memory_space<vmem>>) offsets(%dma_start3A_516 : memref<64xi32, #tpu.memory_space<vmem>>) semaphore(%arg18 : memref<!tpu.dma_semaphore, #tpu.memory_space<semaphore_mem>>)
        %dma_start3A_520 = arith.constant 3 : i32
        %dma_start3A_521 = arith.constant 192 : i32
        %dma_start3A_522 = arith.constant 0 : i32
        %dma_start3A_523 = tpu.memref_slice %arg11[%dma_start3A_521, %dma_start3A_522] : memref<576x32xi32, #tpu.memory_space<vmem>> -> memref<64x32xi32, #tpu.memory_space<vmem>>
        %dma_start3A_524 = arith.constant 0 : i32
        %dma_start3A_525 = tpu.memref_slice %arg8[%dma_start3A_520, %add3A_489, %dma_start3A_524] : memref<9x32x128xi32, #tpu.memory_space<vmem>> -> memref<1x1x64xi32, #tpu.memory_space<vmem>>
        %dma_start3A_526 = tpu.memref_squeeze %dma_start3A_525 : memref<1x1x64xi32, #tpu.memory_space<vmem>> -> memref<64xi32, #tpu.memory_space<vmem>>
        %dma_start3A_527 = arith.constant 0 : i32
        %dma_start3A_528 = arith.constant 0 : i32
        %dma_start3A_529 = tpu.memref_slice %arg4[%dma_start3A_527, %dma_start3A_528] : memref<100001x32xi32, #tpu.memory_space<hbm>> -> memref<100001x32xi32, #tpu.memory_space<hbm>>
        tpu.enqueue_indirect_dma source(%dma_start3A_529 : memref<100001x32xi32, #tpu.memory_space<hbm>>) target(%dma_start3A_523 : memref<64x32xi32, #tpu.memory_space<vmem>>) offsets(%dma_start3A_526 : memref<64xi32, #tpu.memory_space<vmem>>) semaphore(%arg18 : memref<!tpu.dma_semaphore, #tpu.memory_space<semaphore_mem>>)
        %dma_start3A_530 = arith.constant 4 : i32
        %dma_start3A_531 = arith.constant 256 : i32
        %dma_start3A_532 = arith.constant 0 : i32
        %dma_start3A_533 = tpu.memref_slice %arg11[%dma_start3A_531, %dma_start3A_532] : memref<576x32xi32, #tpu.memory_space<vmem>> -> memref<64x32xi32, #tpu.memory_space<vmem>>
        %dma_start3A_534 = arith.constant 0 : i32
        %dma_start3A_535 = tpu.memref_slice %arg8[%dma_start3A_530, %add3A_489, %dma_start3A_534] : memref<9x32x128xi32, #tpu.memory_space<vmem>> -> memref<1x1x64xi32, #tpu.memory_space<vmem>>
        %dma_start3A_536 = tpu.memref_squeeze %dma_start3A_535 : memref<1x1x64xi32, #tpu.memory_space<vmem>> -> memref<64xi32, #tpu.memory_space<vmem>>
        %dma_start3A_537 = arith.constant 0 : i32
        %dma_start3A_538 = arith.constant 0 : i32
        %dma_start3A_539 = tpu.memref_slice %arg4[%dma_start3A_537, %dma_start3A_538] : memref<100001x32xi32, #tpu.memory_space<hbm>> -> memref<100001x32xi32, #tpu.memory_space<hbm>>
        tpu.enqueue_indirect_dma source(%dma_start3A_539 : memref<100001x32xi32, #tpu.memory_space<hbm>>) target(%dma_start3A_533 : memref<64x32xi32, #tpu.memory_space<vmem>>) offsets(%dma_start3A_536 : memref<64xi32, #tpu.memory_space<vmem>>) semaphore(%arg18 : memref<!tpu.dma_semaphore, #tpu.memory_space<semaphore_mem>>)
        %dma_start3A_540 = arith.constant 5 : i32
        %dma_start3A_541 = arith.constant 320 : i32
        %dma_start3A_542 = arith.constant 0 : i32
        %dma_start3A_543 = tpu.memref_slice %arg11[%dma_start3A_541, %dma_start3A_542] : memref<576x32xi32, #tpu.memory_space<vmem>> -> memref<64x32xi32, #tpu.memory_space<vmem>>
        %dma_start3A_544 = arith.constant 0 : i32
        %dma_start3A_545 = tpu.memref_slice %arg8[%dma_start3A_540, %add3A_489, %dma_start3A_544] : memref<9x32x128xi32, #tpu.memory_space<vmem>> -> memref<1x1x64xi32, #tpu.memory_space<vmem>>
        %dma_start3A_546 = tpu.memref_squeeze %dma_start3A_545 : memref<1x1x64xi32, #tpu.memory_space<vmem>> -> memref<64xi32, #tpu.memory_space<vmem>>
        %dma_start3A_547 = arith.constant 0 : i32
        %dma_start3A_548 = arith.constant 0 : i32
        %dma_start3A_549 = tpu.memref_slice %arg4[%dma_start3A_547, %dma_start3A_548] : memref<100001x32xi32, #tpu.memory_space<hbm>> -> memref<100001x32xi32, #tpu.memory_space<hbm>>
        tpu.enqueue_indirect_dma source(%dma_start3A_549 : memref<100001x32xi32, #tpu.memory_space<hbm>>) target(%dma_start3A_543 : memref<64x32xi32, #tpu.memory_space<vmem>>) offsets(%dma_start3A_546 : memref<64xi32, #tpu.memory_space<vmem>>) semaphore(%arg18 : memref<!tpu.dma_semaphore, #tpu.memory_space<semaphore_mem>>)
        %dma_start3A_550 = arith.constant 6 : i32
        %dma_start3A_551 = arith.constant 384 : i32
        %dma_start3A_552 = arith.constant 0 : i32
        %dma_start3A_553 = tpu.memref_slice %arg11[%dma_start3A_551, %dma_start3A_552] : memref<576x32xi32, #tpu.memory_space<vmem>> -> memref<64x32xi32, #tpu.memory_space<vmem>>
        %dma_start3A_554 = arith.constant 0 : i32
        %dma_start3A_555 = tpu.memref_slice %arg8[%dma_start3A_550, %add3A_489, %dma_start3A_554] : memref<9x32x128xi32, #tpu.memory_space<vmem>> -> memref<1x1x64xi32, #tpu.memory_space<vmem>>
        %dma_start3A_556 = tpu.memref_squeeze %dma_start3A_555 : memref<1x1x64xi32, #tpu.memory_space<vmem>> -> memref<64xi32, #tpu.memory_space<vmem>>
        %dma_start3A_557 = arith.constant 0 : i32
        %dma_start3A_558 = arith.constant 0 : i32
        %dma_start3A_559 = tpu.memref_slice %arg4[%dma_start3A_557, %dma_start3A_558] : memref<100001x32xi32, #tpu.memory_space<hbm>> -> memref<100001x32xi32, #tpu.memory_space<hbm>>
        tpu.enqueue_indirect_dma source(%dma_start3A_559 : memref<100001x32xi32, #tpu.memory_space<hbm>>) target(%dma_start3A_553 : memref<64x32xi32, #tpu.memory_space<vmem>>) offsets(%dma_start3A_556 : memref<64xi32, #tpu.memory_space<vmem>>) semaphore(%arg18 : memref<!tpu.dma_semaphore, #tpu.memory_space<semaphore_mem>>)
        %dma_start3A_560 = arith.constant 7 : i32
        %dma_start3A_561 = arith.constant 448 : i32
        %dma_start3A_562 = arith.constant 0 : i32
        %dma_start3A_563 = tpu.memref_slice %arg11[%dma_start3A_561, %dma_start3A_562] : memref<576x32xi32, #tpu.memory_space<vmem>> -> memref<64x32xi32, #tpu.memory_space<vmem>>
        %dma_start3A_564 = arith.constant 0 : i32
        %dma_start3A_565 = tpu.memref_slice %arg8[%dma_start3A_560, %add3A_489, %dma_start3A_564] : memref<9x32x128xi32, #tpu.memory_space<vmem>> -> memref<1x1x64xi32, #tpu.memory_space<vmem>>
        %dma_start3A_566 = tpu.memref_squeeze %dma_start3A_565 : memref<1x1x64xi32, #tpu.memory_space<vmem>> -> memref<64xi32, #tpu.memory_space<vmem>>
        %dma_start3A_567 = arith.constant 0 : i32
        %dma_start3A_568 = arith.constant 0 : i32
        %dma_start3A_569 = tpu.memref_slice %arg4[%dma_start3A_567, %dma_start3A_568] : memref<100001x32xi32, #tpu.memory_space<hbm>> -> memref<100001x32xi32, #tpu.memory_space<hbm>>
        tpu.enqueue_indirect_dma source(%dma_start3A_569 : memref<100001x32xi32, #tpu.memory_space<hbm>>) target(%dma_start3A_563 : memref<64x32xi32, #tpu.memory_space<vmem>>) offsets(%dma_start3A_566 : memref<64xi32, #tpu.memory_space<vmem>>) semaphore(%arg18 : memref<!tpu.dma_semaphore, #tpu.memory_space<semaphore_mem>>)
        %dma_start3A_570 = arith.constant 8 : i32
        %dma_start3A_571 = arith.constant 512 : i32
        %dma_start3A_572 = arith.constant 0 : i32
        %dma_start3A_573 = tpu.memref_slice %arg11[%dma_start3A_571, %dma_start3A_572] : memref<576x32xi32, #tpu.memory_space<vmem>> -> memref<64x32xi32, #tpu.memory_space<vmem>>
        %dma_start3A_574 = arith.constant 0 : i32
        %dma_start3A_575 = tpu.memref_slice %arg8[%dma_start3A_570, %add3A_489, %dma_start3A_574] : memref<9x32x128xi32, #tpu.memory_space<vmem>> -> memref<1x1x64xi32, #tpu.memory_space<vmem>>
        %dma_start3A_576 = tpu.memref_squeeze %dma_start3A_575 : memref<1x1x64xi32, #tpu.memory_space<vmem>> -> memref<64xi32, #tpu.memory_space<vmem>>
        %dma_start3A_577 = arith.constant 0 : i32
        %dma_start3A_578 = arith.constant 0 : i32
        %dma_start3A_579 = tpu.memref_slice %arg4[%dma_start3A_577, %dma_start3A_578] : memref<100001x32xi32, #tpu.memory_space<hbm>> -> memref<100001x32xi32, #tpu.memory_space<hbm>>
        tpu.enqueue_indirect_dma source(%dma_start3A_579 : memref<100001x32xi32, #tpu.memory_space<hbm>>) target(%dma_start3A_573 : memref<64x32xi32, #tpu.memory_space<vmem>>) offsets(%dma_start3A_576 : memref<64xi32, #tpu.memory_space<vmem>>) semaphore(%arg18 : memref<!tpu.dma_semaphore, #tpu.memory_space<semaphore_mem>>)
        %dma_start3A_580 = arith.constant 0 : i32
        %dma_start3A_581 = arith.constant 0 : i32
        %dma_start3A_582 = tpu.memref_slice %arg5[%dma_start3A_580, %dma_start3A_581] : memref<513x32xi32, #tpu.memory_space<hbm>> -> memref<513x32xi32, #tpu.memory_space<hbm>>
        tpu.enqueue_indirect_dma source(%dma_start3A_582 : memref<513x32xi32, #tpu.memory_space<hbm>>) target(%arg13 : memref<64x32xi32, #tpu.memory_space<vmem>>) offsets(%arg9 : memref<64xi32, #tpu.memory_space<vmem>>) semaphore(%arg18 : memref<!tpu.dma_semaphore, #tpu.memory_space<semaphore_mem>>)
      } else {
      }
      %parallel_loop3A_469 = arith.constant 0 : i32
      %parallel_loop3A_470 = arith.constant 64 : i32
      %parallel_loop3A_471 = arith.constant 1 : i32
      scf.for %parallel_loop3A_476 = %parallel_loop3A_469 to %parallel_loop3A_470 step %parallel_loop3A_471  : i32 {
        %parallel_loop3A_477 = arith.constant 65 : i32
        %parallel_loop3A_478 = arith.addi %parallel_loop3A_477, %parallel_loop3A_476 : i32
        %parallel_loop3A_479 = arith.constant 64 : i32
        %parallel_loop3A_480 = arith.muli %parallel_loop3A_478, %parallel_loop3A_479 : i32
        %parallel_loop3A_481 = arith.index_cast %parallel_loop3A_476 : i32 to index
        %parallel_loop3A_482 = arith.constant 0 : index
        %parallel_loop3A_483 = tpu.vector_load %arg14[%parallel_loop3A_481, %parallel_loop3A_482] {strides = array<i32>} : memref<64x32xi32, #tpu.memory_space<vmem>>, vector<16xi32>,
        %parallel_loop3A_484 = arith.constant 16 : i32
        %parallel_loop3A_485 = vector.broadcast %parallel_loop3A_484 : i32 to vector<16xi32>
        %parallel_loop3A_486 = arith.shli %parallel_loop3A_483, %parallel_loop3A_485 : vector<16xi32>
        %parallel_loop3A_487 = vector.bitcast %parallel_loop3A_486 : vector<16xi32> to vector<16xf32>
        %parallel_loop3A_488 = vector.bitcast %parallel_loop3A_483 : vector<16xi32> to vector<16xf32>
        %parallel_loop3A_489 = arith.constant 0 : i32
        %parallel_loop3A_490 = arith.addi %parallel_loop3A_489, %parallel_loop3A_476 : i32
        %parallel_loop3A_491 = arith.index_cast %parallel_loop3A_490 : i32 to index
        %parallel_loop3A_492 = arith.constant 0 : index
        %parallel_loop3A_493 = tpu.vector_load %arg12[%parallel_loop3A_491, %parallel_loop3A_492] {strides = array<i32>} : memref<576x32xi32, #tpu.memory_space<vmem>>, vector<16xi32>,
        %parallel_loop3A_494 = arith.constant 16 : i32
        %parallel_loop3A_495 = vector.broadcast %parallel_loop3A_494 : i32 to vector<16xi32>
        %parallel_loop3A_496 = arith.shli %parallel_loop3A_493, %parallel_loop3A_495 : vector<16xi32>
        %parallel_loop3A_497 = vector.bitcast %parallel_loop3A_496 : vector<16xi32> to vector<16xf32>
        %parallel_loop3A_498 = arith.addf %parallel_loop3A_487, %parallel_loop3A_497 : vector<16xf32>
        %parallel_loop3A_499 = vector.bitcast %parallel_loop3A_493 : vector<16xi32> to vector<16xf32>
        %parallel_loop3A_500 = arith.addf %parallel_loop3A_488, %parallel_loop3A_499 : vector<16xf32>
        %parallel_loop3A_501 = arith.constant 64 : i32
        %parallel_loop3A_502 = arith.addi %parallel_loop3A_501, %parallel_loop3A_476 : i32
        %parallel_loop3A_503 = arith.index_cast %parallel_loop3A_502 : i32 to index
        %parallel_loop3A_504 = arith.constant 0 : index
        %parallel_loop3A_505 = tpu.vector_load %arg12[%parallel_loop3A_503, %parallel_loop3A_504] {strides = array<i32>} : memref<576x32xi32, #tpu.memory_space<vmem>>, vector<16xi32>,
        %parallel_loop3A_506 = arith.constant 16 : i32
        %parallel_loop3A_507 = vector.broadcast %parallel_loop3A_506 : i32 to vector<16xi32>
        %parallel_loop3A_508 = arith.shli %parallel_loop3A_505, %parallel_loop3A_507 : vector<16xi32>
        %parallel_loop3A_509 = vector.bitcast %parallel_loop3A_508 : vector<16xi32> to vector<16xf32>
        %parallel_loop3A_510 = arith.addf %parallel_loop3A_498, %parallel_loop3A_509 : vector<16xf32>
        %parallel_loop3A_511 = vector.bitcast %parallel_loop3A_505 : vector<16xi32> to vector<16xf32>
        %parallel_loop3A_512 = arith.addf %parallel_loop3A_500, %parallel_loop3A_511 : vector<16xf32>
        %parallel_loop3A_513 = arith.constant 128 : i32
        %parallel_loop3A_514 = arith.addi %parallel_loop3A_513, %parallel_loop3A_476 : i32
        %parallel_loop3A_515 = arith.index_cast %parallel_loop3A_514 : i32 to index
        %parallel_loop3A_516 = arith.constant 0 : index
        %parallel_loop3A_517 = tpu.vector_load %arg12[%parallel_loop3A_515, %parallel_loop3A_516] {strides = array<i32>} : memref<576x32xi32, #tpu.memory_space<vmem>>, vector<16xi32>,
        %parallel_loop3A_518 = arith.constant 16 : i32
        %parallel_loop3A_519 = vector.broadcast %parallel_loop3A_518 : i32 to vector<16xi32>
        %parallel_loop3A_520 = arith.shli %parallel_loop3A_517, %parallel_loop3A_519 : vector<16xi32>
        %parallel_loop3A_521 = vector.bitcast %parallel_loop3A_520 : vector<16xi32> to vector<16xf32>
        %parallel_loop3A_522 = arith.addf %parallel_loop3A_510, %parallel_loop3A_521 : vector<16xf32>
        %parallel_loop3A_523 = vector.bitcast %parallel_loop3A_517 : vector<16xi32> to vector<16xf32>
        %parallel_loop3A_524 = arith.addf %parallel_loop3A_512, %parallel_loop3A_523 : vector<16xf32>
        %parallel_loop3A_525 = arith.constant 192 : i32
        %parallel_loop3A_526 = arith.addi %parallel_loop3A_525, %parallel_loop3A_476 : i32
        %parallel_loop3A_527 = arith.index_cast %parallel_loop3A_526 : i32 to index
        %parallel_loop3A_528 = arith.constant 0 : index
        %parallel_loop3A_529 = tpu.vector_load %arg12[%parallel_loop3A_527, %parallel_loop3A_528] {strides = array<i32>} : memref<576x32xi32, #tpu.memory_space<vmem>>, vector<16xi32>,
        %parallel_loop3A_530 = arith.constant 16 : i32
        %parallel_loop3A_531 = vector.broadcast %parallel_loop3A_530 : i32 to vector<16xi32>
        %parallel_loop3A_532 = arith.shli %parallel_loop3A_529, %parallel_loop3A_531 : vector<16xi32>
        %parallel_loop3A_533 = vector.bitcast %parallel_loop3A_532 : vector<16xi32> to vector<16xf32>
        %parallel_loop3A_534 = arith.addf %parallel_loop3A_522, %parallel_loop3A_533 : vector<16xf32>
        %parallel_loop3A_535 = vector.bitcast %parallel_loop3A_529 : vector<16xi32> to vector<16xf32>
        %parallel_loop3A_536 = arith.addf %parallel_loop3A_524, %parallel_loop3A_535 : vector<16xf32>
        %parallel_loop3A_537 = arith.constant 256 : i32
        %parallel_loop3A_538 = arith.addi %parallel_loop3A_537, %parallel_loop3A_476 : i32
        %parallel_loop3A_539 = arith.index_cast %parallel_loop3A_538 : i32 to index
        %parallel_loop3A_540 = arith.constant 0 : index
        %parallel_loop3A_541 = tpu.vector_load %arg12[%parallel_loop3A_539, %parallel_loop3A_540] {strides = array<i32>} : memref<576x32xi32, #tpu.memory_space<vmem>>, vector<16xi32>,
        %parallel_loop3A_542 = arith.constant 16 : i32
        %parallel_loop3A_543 = vector.broadcast %parallel_loop3A_542 : i32 to vector<16xi32>
        %parallel_loop3A_544 = arith.shli %parallel_loop3A_541, %parallel_loop3A_543 : vector<16xi32>
        %parallel_loop3A_545 = vector.bitcast %parallel_loop3A_544 : vector<16xi32> to vector<16xf32>
        %parallel_loop3A_546 = arith.addf %parallel_loop3A_534, %parallel_loop3A_545 : vector<16xf32>
        %parallel_loop3A_547 = vector.bitcast %parallel_loop3A_541 : vector<16xi32> to vector<16xf32>
        %parallel_loop3A_548 = arith.addf %parallel_loop3A_536, %parallel_loop3A_547 : vector<16xf32>
        %parallel_loop3A_549 = arith.constant 320 : i32
        %parallel_loop3A_550 = arith.addi %parallel_loop3A_549, %parallel_loop3A_476 : i32
        %parallel_loop3A_551 = arith.index_cast %parallel_loop3A_550 : i32 to index
        %parallel_loop3A_552 = arith.constant 0 : index
        %parallel_loop3A_553 = tpu.vector_load %arg12[%parallel_loop3A_551, %parallel_loop3A_552] {strides = array<i32>} : memref<576x32xi32, #tpu.memory_space<vmem>>, vector<16xi32>,
        %parallel_loop3A_554 = arith.constant 16 : i32
        %parallel_loop3A_555 = vector.broadcast %parallel_loop3A_554 : i32 to vector<16xi32>
        %parallel_loop3A_556 = arith.shli %parallel_loop3A_553, %parallel_loop3A_555 : vector<16xi32>
        %parallel_loop3A_557 = vector.bitcast %parallel_loop3A_556 : vector<16xi32> to vector<16xf32>
        %parallel_loop3A_558 = arith.addf %parallel_loop3A_546, %parallel_loop3A_557 : vector<16xf32>
        %parallel_loop3A_559 = vector.bitcast %parallel_loop3A_553 : vector<16xi32> to vector<16xf32>
        %parallel_loop3A_560 = arith.addf %parallel_loop3A_548, %parallel_loop3A_559 : vector<16xf32>
        %parallel_loop3A_561 = arith.constant 384 : i32
        %parallel_loop3A_562 = arith.addi %parallel_loop3A_561, %parallel_loop3A_476 : i32
        %parallel_loop3A_563 = arith.index_cast %parallel_loop3A_562 : i32 to index
        %parallel_loop3A_564 = arith.constant 0 : index
        %parallel_loop3A_565 = tpu.vector_load %arg12[%parallel_loop3A_563, %parallel_loop3A_564] {strides = array<i32>} : memref<576x32xi32, #tpu.memory_space<vmem>>, vector<16xi32>,
        %parallel_loop3A_566 = arith.constant 16 : i32
        %parallel_loop3A_567 = vector.broadcast %parallel_loop3A_566 : i32 to vector<16xi32>
        %parallel_loop3A_568 = arith.shli %parallel_loop3A_565, %parallel_loop3A_567 : vector<16xi32>
        %parallel_loop3A_569 = vector.bitcast %parallel_loop3A_568 : vector<16xi32> to vector<16xf32>
        %parallel_loop3A_570 = arith.addf %parallel_loop3A_558, %parallel_loop3A_569 : vector<16xf32>
        %parallel_loop3A_571 = vector.bitcast %parallel_loop3A_565 : vector<16xi32> to vector<16xf32>
        %parallel_loop3A_572 = arith.addf %parallel_loop3A_560, %parallel_loop3A_571 : vector<16xf32>
        %parallel_loop3A_573 = arith.constant 448 : i32
        %parallel_loop3A_574 = arith.addi %parallel_loop3A_573, %parallel_loop3A_476 : i32
        %parallel_loop3A_575 = arith.index_cast %parallel_loop3A_574 : i32 to index
        %parallel_loop3A_576 = arith.constant 0 : index
        %parallel_loop3A_577 = tpu.vector_load %arg12[%parallel_loop3A_575, %parallel_loop3A_576] {strides = array<i32>} : memref<576x32xi32, #tpu.memory_space<vmem>>, vector<16xi32>,
        %parallel_loop3A_578 = arith.constant 16 : i32
        %parallel_loop3A_579 = vector.broadcast %parallel_loop3A_578 : i32 to vector<16xi32>
        %parallel_loop3A_580 = arith.shli %parallel_loop3A_577, %parallel_loop3A_579 : vector<16xi32>
        %parallel_loop3A_581 = vector.bitcast %parallel_loop3A_580 : vector<16xi32> to vector<16xf32>
        %parallel_loop3A_582 = arith.addf %parallel_loop3A_570, %parallel_loop3A_581 : vector<16xf32>
        %parallel_loop3A_583 = vector.bitcast %parallel_loop3A_577 : vector<16xi32> to vector<16xf32>
        %parallel_loop3A_584 = arith.addf %parallel_loop3A_572, %parallel_loop3A_583 : vector<16xf32>
        %parallel_loop3A_585 = arith.constant 512 : i32
        %parallel_loop3A_586 = arith.addi %parallel_loop3A_585, %parallel_loop3A_476 : i32
        %parallel_loop3A_587 = arith.index_cast %parallel_loop3A_586 : i32 to index
        %parallel_loop3A_588 = arith.constant 0 : index
        %parallel_loop3A_589 = tpu.vector_load %arg12[%parallel_loop3A_587, %parallel_loop3A_588] {strides = array<i32>} : memref<576x32xi32, #tpu.memory_space<vmem>>, vector<16xi32>,
        %parallel_loop3A_590 = arith.constant 16 : i32
        %parallel_loop3A_591 = vector.broadcast %parallel_loop3A_590 : i32 to vector<16xi32>
        %parallel_loop3A_592 = arith.shli %parallel_loop3A_589, %parallel_loop3A_591 : vector<16xi32>
        %parallel_loop3A_593 = vector.bitcast %parallel_loop3A_592 : vector<16xi32> to vector<16xf32>
        %parallel_loop3A_594 = arith.addf %parallel_loop3A_582, %parallel_loop3A_593 : vector<16xf32>
        %parallel_loop3A_595 = vector.bitcast %parallel_loop3A_589 : vector<16xi32> to vector<16xf32>
        %parallel_loop3A_596 = arith.addf %parallel_loop3A_584, %parallel_loop3A_595 : vector<16xf32>
        %parallel_loop3A_597 = arith.constant 0 : i32
        %parallel_loop3A_598 = arith.addi %parallel_loop3A_480, %parallel_loop3A_597 : i32
        %parallel_loop3A_599 = arith.index_cast %parallel_loop3A_598 : i32 to index
        %parallel_loop3A_600 = tpu.vector_load %arg15[%parallel_loop3A_599] {strides = array<i32>} : memref<8256xf32, #tpu.memory_space<vmem>>, vector<16xf32>,
        tpu.vector_store %arg15[%parallel_loop3A_599], %parallel_loop3A_594 {strides = array<i32>} : memref<8256xf32, #tpu.memory_space<vmem>>, vector<16xf32>,
        %parallel_loop3A_601 = arith.constant 0 : i32
        %parallel_loop3A_602 = arith.addi %parallel_loop3A_480, %parallel_loop3A_601 : i32
        %parallel_loop3A_603 = arith.constant 16 : i32
        %parallel_loop3A_604 = arith.addi %parallel_loop3A_602, %parallel_loop3A_603 : i32
        %parallel_loop3A_605 = arith.index_cast %parallel_loop3A_604 : i32 to index
        %parallel_loop3A_606 = tpu.vector_load %arg15[%parallel_loop3A_605] {strides = array<i32>} : memref<8256xf32, #tpu.memory_space<vmem>>, vector<16xf32>,
        tpu.vector_store %arg15[%parallel_loop3A_605], %parallel_loop3A_596 {strides = array<i32>} : memref<8256xf32, #tpu.memory_space<vmem>>, vector<16xf32>,
        %parallel_loop3A_607 = arith.index_cast %parallel_loop3A_476 : i32 to index
        %parallel_loop3A_608 = arith.constant 16 : index
        %parallel_loop3A_609 = tpu.vector_load %arg14[%parallel_loop3A_607, %parallel_loop3A_608] {strides = array<i32>} : memref<64x32xi32, #tpu.memory_space<vmem>>, vector<16xi32>,
        %parallel_loop3A_610 = arith.constant 16 : i32
        %parallel_loop3A_611 = vector.broadcast %parallel_loop3A_610 : i32 to vector<16xi32>
        %parallel_loop3A_612 = arith.shli %parallel_loop3A_609, %parallel_loop3A_611 : vector<16xi32>
        %parallel_loop3A_613 = vector.bitcast %parallel_loop3A_612 : vector<16xi32> to vector<16xf32>
        %parallel_loop3A_614 = vector.bitcast %parallel_loop3A_609 : vector<16xi32> to vector<16xf32>
        %parallel_loop3A_615 = arith.constant 0 : i32
        %parallel_loop3A_616 = arith.addi %parallel_loop3A_615, %parallel_loop3A_476 : i32
        %parallel_loop3A_617 = arith.index_cast %parallel_loop3A_616 : i32 to index
        %parallel_loop3A_618 = arith.constant 16 : index
        %parallel_loop3A_619 = tpu.vector_load %arg12[%parallel_loop3A_617, %parallel_loop3A_618] {strides = array<i32>} : memref<576x32xi32, #tpu.memory_space<vmem>>, vector<16xi32>,
        %parallel_loop3A_620 = arith.constant 16 : i32
        %parallel_loop3A_621 = vector.broadcast %parallel_loop3A_620 : i32 to vector<16xi32>
        %parallel_loop3A_622 = arith.shli %parallel_loop3A_619, %parallel_loop3A_621 : vector<16xi32>
        %parallel_loop3A_623 = vector.bitcast %parallel_loop3A_622 : vector<16xi32> to vector<16xf32>
        %parallel_loop3A_624 = arith.addf %parallel_loop3A_613, %parallel_loop3A_623 : vector<16xf32>
        %parallel_loop3A_625 = vector.bitcast %parallel_loop3A_619 : vector<16xi32> to vector<16xf32>
        %parallel_loop3A_626 = arith.addf %parallel_loop3A_614, %parallel_loop3A_625 : vector<16xf32>
        %parallel_loop3A_627 = arith.constant 64 : i32
        %parallel_loop3A_628 = arith.addi %parallel_loop3A_627, %parallel_loop3A_476 : i32
        %parallel_loop3A_629 = arith.index_cast %parallel_loop3A_628 : i32 to index
        %parallel_loop3A_630 = arith.constant 16 : index
        %parallel_loop3A_631 = tpu.vector_load %arg12[%parallel_loop3A_629, %parallel_loop3A_630] {strides = array<i32>} : memref<576x32xi32, #tpu.memory_space<vmem>>, vector<16xi32>,
        %parallel_loop3A_632 = arith.constant 16 : i32
        %parallel_loop3A_633 = vector.broadcast %parallel_loop3A_632 : i32 to vector<16xi32>
        %parallel_loop3A_634 = arith.shli %parallel_loop3A_631, %parallel_loop3A_633 : vector<16xi32>
        %parallel_loop3A_635 = vector.bitcast %parallel_loop3A_634 : vector<16xi32> to vector<16xf32>
        %parallel_loop3A_636 = arith.addf %parallel_loop3A_624, %parallel_loop3A_635 : vector<16xf32>
        %parallel_loop3A_637 = vector.bitcast %parallel_loop3A_631 : vector<16xi32> to vector<16xf32>
        %parallel_loop3A_638 = arith.addf %parallel_loop3A_626, %parallel_loop3A_637 : vector<16xf32>
        %parallel_loop3A_639 = arith.constant 128 : i32
        %parallel_loop3A_640 = arith.addi %parallel_loop3A_639, %parallel_loop3A_476 : i32
        %parallel_loop3A_641 = arith.index_cast %parallel_loop3A_640 : i32 to index
        %parallel_loop3A_642 = arith.constant 16 : index
        %parallel_loop3A_643 = tpu.vector_load %arg12[%parallel_loop3A_641, %parallel_loop3A_642] {strides = array<i32>} : memref<576x32xi32, #tpu.memory_space<vmem>>, vector<16xi32>,
        %parallel_loop3A_644 = arith.constant 16 : i32
        %parallel_loop3A_645 = vector.broadcast %parallel_loop3A_644 : i32 to vector<16xi32>
        %parallel_loop3A_646 = arith.shli %parallel_loop3A_643, %parallel_loop3A_645 : vector<16xi32>
        %parallel_loop3A_647 = vector.bitcast %parallel_loop3A_646 : vector<16xi32> to vector<16xf32>
        %parallel_loop3A_648 = arith.addf %parallel_loop3A_636, %parallel_loop3A_647 : vector<16xf32>
        %parallel_loop3A_649 = vector.bitcast %parallel_loop3A_643 : vector<16xi32> to vector<16xf32>
        %parallel_loop3A_650 = arith.addf %parallel_loop3A_638, %parallel_loop3A_649 : vector<16xf32>
        %parallel_loop3A_651 = arith.constant 192 : i32
        %parallel_loop3A_652 = arith.addi %parallel_loop3A_651, %parallel_loop3A_476 : i32
        %parallel_loop3A_653 = arith.index_cast %parallel_loop3A_652 : i32 to index
        %parallel_loop3A_654 = arith.constant 16 : index
        %parallel_loop3A_655 = tpu.vector_load %arg12[%parallel_loop3A_653, %parallel_loop3A_654] {strides = array<i32>} : memref<576x32xi32, #tpu.memory_space<vmem>>, vector<16xi32>,
        %parallel_loop3A_656 = arith.constant 16 : i32
        %parallel_loop3A_657 = vector.broadcast %parallel_loop3A_656 : i32 to vector<16xi32>
        %parallel_loop3A_658 = arith.shli %parallel_loop3A_655, %parallel_loop3A_657 : vector<16xi32>
        %parallel_loop3A_659 = vector.bitcast %parallel_loop3A_658 : vector<16xi32> to vector<16xf32>
        %parallel_loop3A_660 = arith.addf %parallel_loop3A_648, %parallel_loop3A_659 : vector<16xf32>
        %parallel_loop3A_661 = vector.bitcast %parallel_loop3A_655 : vector<16xi32> to vector<16xf32>
        %parallel_loop3A_662 = arith.addf %parallel_loop3A_650, %parallel_loop3A_661 : vector<16xf32>
        %parallel_loop3A_663 = arith.constant 256 : i32
        %parallel_loop3A_664 = arith.addi %parallel_loop3A_663, %parallel_loop3A_476 : i32
        %parallel_loop3A_665 = arith.index_cast %parallel_loop3A_664 : i32 to index
        %parallel_loop3A_666 = arith.constant 16 : index
        %parallel_loop3A_667 = tpu.vector_load %arg12[%parallel_loop3A_665, %parallel_loop3A_666] {strides = array<i32>} : memref<576x32xi32, #tpu.memory_space<vmem>>, vector<16xi32>,
        %parallel_loop3A_668 = arith.constant 16 : i32
        %parallel_loop3A_669 = vector.broadcast %parallel_loop3A_668 : i32 to vector<16xi32>
        %parallel_loop3A_670 = arith.shli %parallel_loop3A_667, %parallel_loop3A_669 : vector<16xi32>
        %parallel_loop3A_671 = vector.bitcast %parallel_loop3A_670 : vector<16xi32> to vector<16xf32>
        %parallel_loop3A_672 = arith.addf %parallel_loop3A_660, %parallel_loop3A_671 : vector<16xf32>
        %parallel_loop3A_673 = vector.bitcast %parallel_loop3A_667 : vector<16xi32> to vector<16xf32>
        %parallel_loop3A_674 = arith.addf %parallel_loop3A_662, %parallel_loop3A_673 : vector<16xf32>
        %parallel_loop3A_675 = arith.constant 320 : i32
        %parallel_loop3A_676 = arith.addi %parallel_loop3A_675, %parallel_loop3A_476 : i32
        %parallel_loop3A_677 = arith.index_cast %parallel_loop3A_676 : i32 to index
        %parallel_loop3A_678 = arith.constant 16 : index
        %parallel_loop3A_679 = tpu.vector_load %arg12[%parallel_loop3A_677, %parallel_loop3A_678] {strides = array<i32>} : memref<576x32xi32, #tpu.memory_space<vmem>>, vector<16xi32>,
        %parallel_loop3A_680 = arith.constant 16 : i32
        %parallel_loop3A_681 = vector.broadcast %parallel_loop3A_680 : i32 to vector<16xi32>
        %parallel_loop3A_682 = arith.shli %parallel_loop3A_679, %parallel_loop3A_681 : vector<16xi32>
        %parallel_loop3A_683 = vector.bitcast %parallel_loop3A_682 : vector<16xi32> to vector<16xf32>
        %parallel_loop3A_684 = arith.addf %parallel_loop3A_672, %parallel_loop3A_683 : vector<16xf32>
        %parallel_loop3A_685 = vector.bitcast %parallel_loop3A_679 : vector<16xi32> to vector<16xf32>
        %parallel_loop3A_686 = arith.addf %parallel_loop3A_674, %parallel_loop3A_685 : vector<16xf32>
        %parallel_loop3A_687 = arith.constant 384 : i32
        %parallel_loop3A_688 = arith.addi %parallel_loop3A_687, %parallel_loop3A_476 : i32
        %parallel_loop3A_689 = arith.index_cast %parallel_loop3A_688 : i32 to index
        %parallel_loop3A_690 = arith.constant 16 : index
        %parallel_loop3A_691 = tpu.vector_load %arg12[%parallel_loop3A_689, %parallel_loop3A_690] {strides = array<i32>} : memref<576x32xi32, #tpu.memory_space<vmem>>, vector<16xi32>,
        %parallel_loop3A_692 = arith.constant 16 : i32
        %parallel_loop3A_693 = vector.broadcast %parallel_loop3A_692 : i32 to vector<16xi32>
        %parallel_loop3A_694 = arith.shli %parallel_loop3A_691, %parallel_loop3A_693 : vector<16xi32>
        %parallel_loop3A_695 = vector.bitcast %parallel_loop3A_694 : vector<16xi32> to vector<16xf32>
        %parallel_loop3A_696 = arith.addf %parallel_loop3A_684, %parallel_loop3A_695 : vector<16xf32>
        %parallel_loop3A_697 = vector.bitcast %parallel_loop3A_691 : vector<16xi32> to vector<16xf32>
        %parallel_loop3A_698 = arith.addf %parallel_loop3A_686, %parallel_loop3A_697 : vector<16xf32>
        %parallel_loop3A_699 = arith.constant 448 : i32
        %parallel_loop3A_700 = arith.addi %parallel_loop3A_699, %parallel_loop3A_476 : i32
        %parallel_loop3A_701 = arith.index_cast %parallel_loop3A_700 : i32 to index
        %parallel_loop3A_702 = arith.constant 16 : index
        %parallel_loop3A_703 = tpu.vector_load %arg12[%parallel_loop3A_701, %parallel_loop3A_702] {strides = array<i32>} : memref<576x32xi32, #tpu.memory_space<vmem>>, vector<16xi32>,
        %parallel_loop3A_704 = arith.constant 16 : i32
        %parallel_loop3A_705 = vector.broadcast %parallel_loop3A_704 : i32 to vector<16xi32>
        %parallel_loop3A_706 = arith.shli %parallel_loop3A_703, %parallel_loop3A_705 : vector<16xi32>
        %parallel_loop3A_707 = vector.bitcast %parallel_loop3A_706 : vector<16xi32> to vector<16xf32>
        %parallel_loop3A_708 = arith.addf %parallel_loop3A_696, %parallel_loop3A_707 : vector<16xf32>
        %parallel_loop3A_709 = vector.bitcast %parallel_loop3A_703 : vector<16xi32> to vector<16xf32>
        %parallel_loop3A_710 = arith.addf %parallel_loop3A_698, %parallel_loop3A_709 : vector<16xf32>
        %parallel_loop3A_711 = arith.constant 512 : i32
        %parallel_loop3A_712 = arith.addi %parallel_loop3A_711, %parallel_loop3A_476 : i32
        %parallel_loop3A_713 = arith.index_cast %parallel_loop3A_712 : i32 to index
        %parallel_loop3A_714 = arith.constant 16 : index
        %parallel_loop3A_715 = tpu.vector_load %arg12[%parallel_loop3A_713, %parallel_loop3A_714] {strides = array<i32>} : memref<576x32xi32, #tpu.memory_space<vmem>>, vector<16xi32>,
        %parallel_loop3A_716 = arith.constant 16 : i32
        %parallel_loop3A_717 = vector.broadcast %parallel_loop3A_716 : i32 to vector<16xi32>
        %parallel_loop3A_718 = arith.shli %parallel_loop3A_715, %parallel_loop3A_717 : vector<16xi32>
        %parallel_loop3A_719 = vector.bitcast %parallel_loop3A_718 : vector<16xi32> to vector<16xf32>
        %parallel_loop3A_720 = arith.addf %parallel_loop3A_708, %parallel_loop3A_719 : vector<16xf32>
        %parallel_loop3A_721 = vector.bitcast %parallel_loop3A_715 : vector<16xi32> to vector<16xf32>
        %parallel_loop3A_722 = arith.addf %parallel_loop3A_710, %parallel_loop3A_721 : vector<16xf32>
        %parallel_loop3A_723 = arith.constant 32 : i32
        %parallel_loop3A_724 = arith.addi %parallel_loop3A_480, %parallel_loop3A_723 : i32
        %parallel_loop3A_725 = arith.index_cast %parallel_loop3A_724 : i32 to index
        %parallel_loop3A_726 = tpu.vector_load %arg15[%parallel_loop3A_725] {strides = array<i32>} : memref<8256xf32, #tpu.memory_space<vmem>>, vector<16xf32>,
        tpu.vector_store %arg15[%parallel_loop3A_725], %parallel_loop3A_720 {strides = array<i32>} : memref<8256xf32, #tpu.memory_space<vmem>>, vector<16xf32>,
        %parallel_loop3A_727 = arith.constant 32 : i32
        %parallel_loop3A_728 = arith.addi %parallel_loop3A_480, %parallel_loop3A_727 : i32
        %parallel_loop3A_729 = arith.constant 16 : i32
        %parallel_loop3A_730 = arith.addi %parallel_loop3A_728, %parallel_loop3A_729 : i32
        %parallel_loop3A_731 = arith.index_cast %parallel_loop3A_730 : i32 to index
        %parallel_loop3A_732 = tpu.vector_load %arg15[%parallel_loop3A_731] {strides = array<i32>} : memref<8256xf32, #tpu.memory_space<vmem>>, vector<16xf32>,
        tpu.vector_store %arg15[%parallel_loop3A_731], %parallel_loop3A_722 {strides = array<i32>} : memref<8256xf32, #tpu.memory_space<vmem>>, vector<16xf32>,
      } {sc.loop_unroll_factor = 2 : i64, sc.parallel_access}
      %mul3A_472 = arith.constant 8256 : i32
      %mul3A_473 = arith.muli %add3A_129, %mul3A_472 : i32
      %dma_start3A_474 = tpu.memref_slice %arg7[%mul3A_473] : memref<8454144xf32, #tpu.memory_space<hbm>> -> memref<8256xf32, #tpu.memory_space<hbm>>
      %dma_start3A_475 = tpu.memref_slice %arg7[%mul3A_473] : memref<8454144xf32, #tpu.memory_space<hbm>> -> memref<8256xf32, #tpu.memory_space<hbm>>
      tpu.enqueue_dma source(%arg15 : memref<8256xf32, #tpu.memory_space<vmem>>) target(%dma_start3A_475 : memref<8256xf32, #tpu.memory_space<hbm>>) target_semaphore(%arg20 : memref<!tpu.dma_semaphore, #tpu.memory_space<semaphore_mem>>)
    }
    %scan3A_123 = arith.constant 32 : i32
    %dma_wait3A_124 = arith.constant 0 : i32
    %dma_wait3A_125 = tpu.memref_slice %arg7[%dma_wait3A_124] : memref<8454144xf32, #tpu.memory_space<hbm>> -> memref<8256xf32, #tpu.memory_space<hbm>>
    %dma_wait3A_126 = arith.constant 0 : i32
    %dma_wait3A_127 = tpu.memref_slice %arg7[%dma_wait3A_126] : memref<8454144xf32, #tpu.memory_space<hbm>> -> memref<8256xf32, #tpu.memory_space<hbm>>
    tpu.wait_dma2 semaphore(%arg20 : memref<!tpu.dma_semaphore, #tpu.memory_space<semaphore_mem>>) src(%arg15 : memref<8256xf32, #tpu.memory_space<vmem>>) dst(%dma_wait3A_127 : memref<8256xf32, #tpu.memory_space<hbm>>)
    return
  }
}

</mosaic_0001>

<sc_bundles>
// kernel: kernel.3.cloned.1.call-start
scs
__scs_entry_jumppad:
0x0: {  	(pc) =	sbr.rel $0x88, $3  }
0x1: {  	(tag) =	ssettag $0x0;
	lr =	simm.s32 $0x1  }
0x2: {  	[smem:$0x3F9C] =	sst lr;
	_ =	strace $0xD0000000  }
0x3: {  	_ = 	snop  }
0x4: {  	_ = 	snop  }
0x5: {  	_ = 	snop  }
0x6: {  	_ = 	snop  }
0x7: {  	_ = 	snop  }
__scs_overlays_trampoline_lowered:
0x8: {  	[smem:$0x3FAB] =	sst s0  }
0x9: {  	[smem:$0x3FAC] =	sst s1  }
0xa: {  	[smem:$0x3FAD] =	sst s2  }
0xb: {  	[smem:$0x3FAE] =	sst s3  }
0xc: {  	[smem:$0x3FAF] =	sst s4  }
0xd: {  	[smem:$0x3FB0] =	sst s5  }
0xe: {  	[smem:$0x3FB1] =	sst s6  }
0xf: {  	[smem:$0x3FB2] =	sst s7  }
0x10: {  	[smem:$0x3FB3] =	sst s8  }
0x11: {  	[smem:$0x3FB4] =	sst s9;
	s0 =	simm.s32 @!p0 $0x0  }
0x12: {  	s1 =	sld [smem:$0x3F9A];
	s0 =	simm.s32 @p0 $0x1  }
0x13: {  	[smem:$0x3FB5] =	sst s0;
	s0 =	simm.s32 @!p1 $0x0  }
0x14: {  	s2 =	sld [smem:$0x3F99];
	s0 =	simm.s32 @p1 $0x1  }
0x15: {  	[smem:$0x3FB6] =	sst s0;
	s0 =	simm.s32 @!p2 $0x0  }
0x16: {  	s3 =	sld [smem:$0x3FDB];
	s0 =	simm.s32 @p2 $0x1  }
0x17: {  	s4 =	simm.s32 $0x1BF5;
	[smem:$0x3FB8] =	sst s0  }
0x18: {  	s0 =	sld [smem:$0x3F9B];
	_ =	swait.ge [sflag:s4], $0x0  }
0x19: {  	s7 =	sld [smem:$0x3F9C]  }
0x1a: {  	s8 =	sadd.s32 $0xFFFFE003, lr  }
0x1b: {  	s9 =	sadd.s32 $0xFFFFFEF7, lr;
	s5 =	simm.s32 $0xFFFFFFFF;
	p2 =	slt.u32 s8, $0xFFFFF086  }
0x1c: {  	p1 =	slt.u32 s9, $0xF7A;
	s5 =	simm.s32 @!p2 $0x0  }
0x1d: {  	s5 =	simm.s32 @p1 $0x1;
	p0 =	seq.s32 s7, s2  }
0x1e: {  	s7 =	smul.u32 @!p0 $0xF7A, s2;
	p2 =	seq.s32 @!p0 s5, $0x0  }
0x1f: {  	s9 =	smul.u32 $0xF7A, s1;
	s8 =	simm.s32 @!p0 $0x1BF5;
	p2 =	por !p2, p0  }
0x20: {  	[sflag:s8] =	ssyncset.s32 @!p0 $0xFFFFF086;
	s6 =	sadd.s32 @!p0 s3, s7;
	s7 =	simm.s32 @!p0 $0x108  }
0x21: {  	s3 =	sadd.s32 s3, s9;
	s6 =	sadd.s32 @!p0 $0x88, s6;
	s7 =	simm.s32 @p2 $0x1082  }
0x22: {  	[simem:s7], [sflag:s8] =	dma.local @!p0 [hbm:s6], $0xF7A  }
0x23: {  	s9 =	sor.u32 $0xD0000000, s2;
	s6 =	simm.s32 $0x108;
	_ =	swait.ge @!p0 [sflag:s8], $0x0  }
0x24: {  	s3 =	sadd.s32 $0x88, s3;
	s6 =	simm.s32 @!p1 $0x1082;
	[sflag:s4] =	ssyncset.s32 $0xFFFFF086  }
0x25: {  	[simem:s6], [sflag:s4] =	dma.local [hbm:s3], $0xF7A  }
0x26: {  	[smem:$0x3F9C] =	sst s1;
	(tag) =	ssettag s2;
	_ =	strace s9  }
0x27: {  	s1 =	sld [smem:$0x3FAC]  }
0x28: {  	s2 =	sld [smem:$0x3FAD]  }
0x29: {  	s4 =	sld [smem:$0x3FAF]  }
0x2a: {  	p0 =	seq.s32 s5, $0x0;
	s5 =	sld [smem:$0x3FB0]  }
0x2b: {  	s6 =	sld [smem:$0x3FB1]  }
0x2c: {  	s7 =	sld [smem:$0x3FB2]  }
0x2d: {  	s3 =	simm.s32 $0x108;
	s8 =	sld [smem:$0x3FB3]  }
0x2e: {  	s3 =	simm.s32 @!p0 $0x1082;
	s9 =	sld [smem:$0x3FB4]  }
0x2f: {  	lr =	sadd.s32 s0, s3;
	s0 =	sld [smem:$0x3FAB]  }
0x30: {  	s3 =	sld [smem:$0x3FAE]  }
0x31: {  	[smem:$0x3FB7] =	sst s10  }
0x32: {  	s10 =	sld [smem:$0x3FB5];
	_ =	sdelay $0x3  }
0x33: {  	p0 =	seq.s32 s10, $0x1;
	s10 =	sld [smem:$0x3FB7];
	_ =	sdelay $0x3  }
0x34: {  	[smem:$0x3FB7] =	sst s10  }
0x35: {  	s10 =	sld [smem:$0x3FB6];
	_ =	sdelay $0x3  }
0x36: {  	p1 =	seq.s32 s10, $0x1;
	s10 =	sld [smem:$0x3FB7];
	_ =	sdelay $0x3  }
0x37: {  	[smem:$0x3FB7] =	sst s10  }
0x38: {  	s10 =	sld [smem:$0x3FB8]  }
0x39: {  	_ = 	snop;
	(pc) =	sbr.ind lr, $3  }
0x3a: {  	_ = 	snop  }
0x3b: {  	_ = 	snop  }
0x3c: {  	p2 =	seq.s32 s10, $0x1;
	s10 =	sld [smem:$0x3FB7]  }
0x3d: {  	_ =	shalt  }
0x3e: {  	_ =	shalt  }
0x3f: {  	_ =	shalt  }
0x40: {  	_ =	shalt  }
0x41: {  	_ =	shalt  }
0x42: {  	_ =	shalt  }
0x43: {  	_ =	shalt  }
0x44: {  	_ =	shalt  }
0x45: {  	_ =	shalt  }
0x46: {  	_ =	shalt  }
0x47: {  	_ =	shalt  }
0x48: {  	_ =	shalt  }
0x49: {  	_ =	shalt  }
0x4a: {  	_ =	shalt  }
0x4b: {  	_ =	shalt  }
0x4c: {  	_ =	shalt  }
0x4d: {  	_ =	shalt  }
0x4e: {  	_ =	shalt  }
0x4f: {  	_ =	shalt  }
0x50: {  	_ =	shalt  }
0x51: {  	_ =	shalt  }
0x52: {  	_ =	shalt  }
0x53: {  	_ =	shalt  }
0x54: {  	_ =	shalt  }
0x55: {  	_ =	shalt  }
0x56: {  	_ =	shalt  }
0x57: {  	_ =	shalt  }
0x58: {  	_ =	shalt  }
0x59: {  	_ =	shalt  }
0x5a: {  	_ =	shalt  }
0x5b: {  	_ =	shalt  }
0x5c: {  	_ =	shalt  }
0x5d: {  	_ =	shalt  }
0x5e: {  	_ =	shalt  }
0x5f: {  	_ =	shalt  }
0x60: {  	_ =	shalt  }
0x61: {  	_ =	shalt  }
0x62: {  	_ =	shalt  }
0x63: {  	_ =	shalt  }
0x64: {  	_ =	shalt  }
0x65: {  	_ =	shalt  }
0x66: {  	_ =	shalt  }
0x67: {  	_ =	shalt  }
0x68: {  	_ =	shalt  }
0x69: {  	_ =	shalt  }
0x6a: {  	_ =	shalt  }
0x6b: {  	_ =	shalt  }
0x6c: {  	_ =	shalt  }
0x6d: {  	_ =	shalt  }
0x6e: {  	_ =	shalt  }
0x6f: {  	_ =	shalt  }
0x70: {  	_ =	shalt  }
0x71: {  	_ =	shalt  }
0x72: {  	_ =	shalt  }
0x73: {  	_ =	shalt  }
0x74: {  	_ =	shalt  }
0x75: {  	_ =	shalt  }
0x76: {  	_ =	shalt  }
0x77: {  	_ =	shalt  }
0x78: {  	_ =	shalt  }
0x79: {  	_ =	shalt  }
0x7a: {  	_ =	shalt  }
0x7b: {  	_ =	shalt  }
0x7c: {  	_ =	shalt  }
0x7d: {  	_ =	shalt  }
0x7e: {  	_ =	shalt  }
0x7f: {  	_ =	shalt  }
0x80: {  	_ =	shalt  }
0x81: {  	_ =	shalt  }
0x82: {  	_ =	shalt  }
0x83: {  	_ =	shalt  }
0x84: {  	_ =	shalt  }
0x85: {  	_ =	shalt  }
0x86: {  	_ =	shalt  }
0x87: {  	_ =	shalt  }
.Lfunc_end0:
.L_simem_size_0:
called_computation.1_lowered:
.L_overlay_start_0:
0x88: {  	s2 =	sld [smem:$0x3FD9]  }
0x89: {  	s3 =	sld [smem:$0x3FFE];
	_ =	sdelay $0x1  }
0x8a: {  	s1 =	srdreg.scid  }
0x8b: {  	s0 =	sand.u32 $0x1, s1  }
0x8c: {  	s17 =	sshll.u32 s0, $0xA;
	s2 =	sadd.s32 s3, s2  }
0x8d: {  	s2 =	sadd.s32 s2, s17  }
0x8e: {  	[smem:$0x3FC3] =	sst s2  }
0x8f: {  	_ = 	snop  }
0x90: {  	s2 =	sld [smem:$0x3FC9]  }
0x91: {  	s18 =	sld [smem:$0x3FC8]  }
0x92: {  	s4 =	sld [smem:$0x3FC5]  }
0x93: {  	s5 =	sld [smem:$0x3FD0];
	(tm) =	ssettm $0x1  }
0x94: {  	s6 =	sld [smem:$0x3FFB];
	_ =	sdelay $0x3  }
0x95: {  	_ =	strace s6  }
0x96: {  	s6 =	sld [smem:$0x3FFC];
	_ =	sdelay $0x3  }
0x97: {  	_ =	strace s6  }
0x98: {  	s6 =	sld [smem:$0x3FFD];
	_ =	sdelay $0x3  }
0x99: {  	_ =	strace s6  }
0x9a: {  	_ =	strace $0x8FFFFFFF  }
0x9b: {  	s19 =	sld [smem:$0x3FDB];
	_ =	sdelay $0x1  }
0x9c: {  	s7 =	simm.s32 $_scs_section_size  }
0x9d: {  	s8 =	simm.s32 $_size__tile_overlayer_lowered;
	s9 =	simm.s32 $_tile_overlayer_lowered  }
0x9e: {  	s22 =	simm.s32 $0x1BFF;
	s21 =	sshll.u32 s9, $0x1;
	s6 =	sadd.s32 s7, s19  }
0x9f: {  	s10 =	simm.s32 $0x0;
	s20 =	sshll.u32 s8, $0x1;
	s8 =	sadd.s32 s21, s6  }
0xa0: {  	[timem:s10], [sflag:s22] =	dma.local [hbm:s8], s20  }
0xa1: {  	_ =	swait.ge [sflag:s22], s20  }
0xa2: {  	s7 =	ssub.s32 $0x0, s20;
	[sflag:s22] =	ssyncset.done $0x0  }
0xa3: {  	[sflag:s22] =	ssyncadd.s32 s7;
	_ =	sdelay $0x1  }
0xa4: {  	s23 =	simm.s32 $0x1B8B  }
0xa5: {  	_ =	swait.ge [sflag:s23], $0x1  }
0xa6: {  	[sflag:s23] =	ssyncset.done $0x0  }
0xa7: {  	s25 =	simm.s32 $0x1B8E;
	s24 =	sld [smem:$0x3FFE];
	[sflag:s23] =	ssyncadd.s32 $0xFFFFFFFF  }
0xa8: {  	s26 =	simm.s32 $execute0_lowered;
	[smem:$0x3FD2] =	sst s25  }
0xa9: {  	s8 =	sshll.u32 s26, $0x1;
	_ =	strace $0x80000046;
	[dreg:$0x1] =	wrdreg $0xFFFFFFFF  }
0xaa: {  	s28 =	simm.s32 $_size_execute0_lowered;
	s6 =	sadd.s32 s6, s8;
	[dreg:$0x0] =	wrdreg $0x0  }
0xab: {  	s8 =	sshll.u32 s28, $0x1;
	[dreg:$0x2] =	wrdreg s6  }
0xac: {  	[dreg:$0x3] =	wrdreg s8  }
0xad: {  	[dreg:$0x4] =	wrdreg $0xC0  }
0xae: {  	_ =	task [dreg:s10], $0x5FFFF  }
0xaf: {  	[dreg:$0x1] =	wrdreg $0xFFFFFFFF  }
0xb0: {  	[dreg:$0x0] =	wrdreg $0x60  }
0xb1: {  	[dreg:$0x2] =	wrdreg s2  }
0xb2: {  	[dreg:$0x3] =	wrdreg s18  }
0xb3: {  	[dreg:$0x4] =	wrdreg s24  }
0xb4: {  	[dreg:$0x5] =	wrdreg s4  }
0xb5: {  	[dreg:$0x6] =	wrdreg s5  }
0xb6: {  	[dreg:$0x7] =	wrdreg $0x9  }
0xb7: {  	_ =	task.clear_ibuf [dreg:s10], $0x8FFFF;
	_ =	strace $0x90000046  }
0xb8: {  	s29 =	simm.s32 $0x9;
	_ =	strace $0x80000048  }
0xb9: {  	_ =	swait.ge [sflag:s29], $0x1  }
0xba: {  	[sflag:s29] =	ssyncadd.s32 $0xFFFFFFFF  }
0xbb: {  	_ =	strace $0x90000048  }
0xbc: {  	_ =	sfence  }
0xbd: {  	s30 =	sld [smem:$0x0];
	_ =	sdelay $0x2  }
0xbe: {  	s31 =	sshll.u32 s1, $0xD;
	s1 =	sshrl.u32 s1, $0x2  }
0xbf: {  	s3 =	sand.u32 $0x4000, s31;
	s1 =	sadd.s32 s1, s30  }
0xc0: {  	s0 =	sor.u32 s3, s0;
	s1 =	sshll.u32 s1, $0x11  }
0xc1: {  	s0 =	sor.u32 s1, s0  }
0xc2: {  	s0 =	sadd.s32 $0x8F2B, s0  }
0xc3: {  	[sflag:s0] =	ssyncadd.remote.s32 $0x1  }
0xc4: {  	_ =	sfence.sel $0xFFFF  }
0xc5: {  	[dreg:$0x0] =	wrdreg $0xFFFFFFFF;
	(pc) =	sbr.abs _section_cstart, $3  }
0xc6: {  	[dreg:$0x1] =	wrdreg $0xFFFFFFFF  }
0xc7: {  	_ =	task.clear_ibuf [dreg:s10], $0x2FFFF;
	_ =	strace $0x9FFFFFFF  }
0xc8: {  	(tm) =	ssettm $0x7FFFFFFF  }
0xc9: {  	_ =	shalt  }
tec
execute0_lowered:
.L_overlay_start_1:
0x0: {  	(tag) =	ssettag $0x1  }
0x1: {  	s0 =	rddreg [dreg:$0x0]  }
0x2: {  	s1 =	rddreg [dreg:$0x1]  }
0x3: {  	s2 =	rddreg [dreg:$0x2];
	s4 =	simm.s32 $0x0;
	s3 =	srdreg.scid  }
0x4: {  	s5 =	stileid.u32;
	s17 =	simm.s32 $0x13080;
	s19 =	simm.s32 $0x9040  }
0x5: {  	s21 =	simm.s32 $0x40;
	s28 =	simm.s32 $0x2;
	s30 =	simm.s32 $0xE080  }
0x6: {  	s31 =	simm.s32 $0xE880;
	s15 =	simm.s32 $0x10880;
	s22 =	simm.s32 $0x11080  }
0x7: {  	s23 =	simm.s32 $0x11880;
	s9 =	simm.s32 $0x0;
	[smem:$0x7FF] =	sst s4  }
0x8: {  	s3 =	sand.u32 $0x1, s3;
	s6 =	sshll.u32 s5, $0x1;
	s5 =	sadd.s32 $0x187E00, s2  }
0x9: {  	s11 =	sadd.s32 $0x10, s1;
	s12 =	sadd.s32 $0x18, s1;
	s7 =	ssub.s32 $0x2, s3  }
0xa: {  	_ =	strace $0x80000047;
	s3 =	sor.u32 s3, s6;
	s24 =	sshrl.u32 s7, $0x1  }
0xb: {  	s6 =	sadd.s32 $0x800, s2;
	s8 =	sshll.u32 s3, $0x9;
	s2 =	ssub.s32 s7, s24  }
0xc: {  	s7 =	sshll.u32 s3, $0x5;
	s25 =	sadd.s32 s1, s8;
	s0 =	sadd.s32 s0, s8  }
0xd: {  	s3 =	simm.s32 $0xF880;
	s1 =	simm.s32 $0x10080;
	[dreg:$0x7] =	wrdreg s0  }
0xe: {  	s24 =	simm.s32 $0x12880;
	[dreg:$0x6] =	wrdreg s25;
	s26 =	sadd.s32 $0x8, s25  }
0xf: {  	s29 =	smax.u32 s2, $0x1;
	s0 =	simm.s32 $0xF080;
	[dreg:$0x8] =	wrdreg s26  }
0x10: {  	s25 =	simm.s32 $0x4;
	[dreg:$0x9] =	wrdreg s29;
	s26 =	simm.s32 $0x3  }
.LBB2_1:
0x11: {  	[dreg:$0xa] =	wrdreg s9  }
0x12: {  	s2 =	rddreg [dreg:$0x7]  }
0x13: {  	s8 =	simm.s32 $0x1000;
	s29 =	simm.s32 $0x20000;
	s10 =	simm.s32 $0x6  }
0x14: {  	[tilespmem:s4], [sflag:$0x6] =	stream.strided.gather [hbm4b:s2+s8], $0x9000, s29, s8, $0x38;
	[tilespmem:$0x150C0] =	vst v63  }
0x15: {  	_ =	swait.ge [sflag:s10], $0x9000  }
0x16: {  	[sflag:s10] =	ssyncset.done $0x0  }
0x17: {  	[sflag:s10] =	ssyncadd.s32 $0xFFFF7000  }
0x18: {  	s13 =	rddreg [dreg:$0x3]  }
0x19: {  	[tilespmem:s17], [sflag:$0x6] =	stream.linear.gather [hbm4b:s13+s4], $0x40, $0x38;
	[tilespmem:$0x150C0] =	vst v63  }
0x1a: {  	_ =	swait.ge [sflag:s10], $0x40  }
0x1b: {  	[sflag:s10] =	ssyncset.done $0x0  }
0x1c: {  	s9 =	simm.s32 $0x9000;
	s14 =	rddreg [dreg:$0x6];
	[sflag:s10] =	ssyncadd.s32 $0xFFFFFFC0  }
0x1d: {  	[tilespmem:s9], [sflag:$0x1] =	stream.linear.gather [hbm4b:s14+s4], $0x40, $0x38;
	[tilespmem:$0x150C0] =	vst v63  }
0x1e: {  	s18 =	simm.s32 $0x1;
	s16 =	rddreg [dreg:$0x8]  }
0x1f: {  	[tilespmem:s19], [sflag:$0x2] =	stream.linear.gather [hbm4b:s16+s4], $0x40, $0x38;
	[tilespmem:$0x150C0] =	vst v63  }
0x20: {  	_ =	swait.ge [sflag:s18], $0x40  }
0x21: {  	[sflag:s18] =	ssyncset.done $0x0  }
0x22: {  	s20 =	simm.s32 $0x9080;
	[sflag:s18] =	ssyncadd.s32 $0xFFFFFFC0  }
0x23: {  	[tilespmem:s20], [sflag:$0x3] =	stream.indirect.gather [hbm4b:s5+s21], $0x20, s4, s21, $0xb8;
	[tilespmem:$0x150C0] =	vst v63  }
0x24: {  	s29 =	simm.s32 $0x9880  }
0x25: {  	[tilespmem:s29], [sflag:$0x3] =	stream.indirect.gather [hbm4b:s5+s21], $0x20, s8, s21, $0xb8;
	[tilespmem:$0x150C0] =	vst v63  }
0x26: {  	s10 =	simm.s32 $0xA080;
	s8 =	simm.s32 $0x2000  }
0x27: {  	[tilespmem:s10], [sflag:$0x3] =	stream.indirect.gather [hbm4b:s5+s21], $0x20, s8, s21, $0xb8;
	[tilespmem:$0x150C0] =	vst v63  }
0x28: {  	s13 =	simm.s32 $0x3000;
	s14 =	simm.s32 $0xA880  }
0x29: {  	[tilespmem:s14], [sflag:$0x3] =	stream.indirect.gather [hbm4b:s5+s21], $0x20, s13, s21, $0xb8;
	[tilespmem:$0x150C0] =	vst v63  }
0x2a: {  	s16 =	simm.s32 $0x4000;
	s18 =	simm.s32 $0xB080  }
0x2b: {  	[tilespmem:s18], [sflag:$0x3] =	stream.indirect.gather [hbm4b:s5+s21], $0x20, s16, s21, $0xb8;
	[tilespmem:$0x150C0] =	vst v63  }
0x2c: {  	s20 =	simm.s32 $0x5000;
	s29 =	simm.s32 $0xB880  }
0x2d: {  	[tilespmem:s29], [sflag:$0x3] =	stream.indirect.gather [hbm4b:s5+s21], $0x20, s20, s21, $0xb8;
	[tilespmem:$0x150C0] =	vst v63  }
0x2e: {  	s10 =	simm.s32 $0x6000;
	s13 =	simm.s32 $0xC080  }
0x2f: {  	[tilespmem:s13], [sflag:$0x3] =	stream.indirect.gather [hbm4b:s5+s21], $0x20, s10, s21, $0xb8;
	[tilespmem:$0x150C0] =	vst v63  }
0x30: {  	s14 =	simm.s32 $0x7000;
	s16 =	simm.s32 $0xC880  }
0x31: {  	[tilespmem:s16], [sflag:$0x3] =	stream.indirect.gather [hbm4b:s5+s21], $0x20, s14, s21, $0xb8;
	[tilespmem:$0x150C0] =	vst v63  }
0x32: {  	s18 =	simm.s32 $0x8000;
	s20 =	simm.s32 $0xD080  }
0x33: {  	[tilespmem:s20], [sflag:$0x3] =	stream.indirect.gather [hbm4b:s5+s21], $0x20, s18, s21, $0xb8;
	[tilespmem:$0x150C0] =	vst v63  }
0x34: {  	s29 =	simm.s32 $0x12080  }
0x35: {  	[tilespmem:s29], [sflag:$0x3] =	stream.indirect.gather [hbm4b:s6+s21], $0x20, s9, s21, $0xb8;
	[tilespmem:$0x150C0] =	vst v63  }
0x36: {  	s9 =	simm.s32 $0x0  }
.LBB2_2:
0x37: {  	_ =	swait.ge [sflag:s26], $0x800  }
0x38: {  	[sflag:s26] =	ssyncset.done $0x0  }
0x39: {  	[sflag:s26] =	ssyncadd.s32 $0xFFFFF800  }
0x3a: {  	_ =	swait.ge [sflag:s26], $0x800  }
0x3b: {  	[sflag:s26] =	ssyncset.done $0x0  }
0x3c: {  	[sflag:s26] =	ssyncadd.s32 $0xFFFFF800  }
0x3d: {  	_ =	swait.ge [sflag:s26], $0x800  }
0x3e: {  	[sflag:s26] =	ssyncset.done $0x0  }
0x3f: {  	[sflag:s26] =	ssyncadd.s32 $0xFFFFF800  }
0x40: {  	_ =	swait.ge [sflag:s26], $0x800  }
0x41: {  	[sflag:s26] =	ssyncset.done $0x0  }
0x42: {  	[sflag:s26] =	ssyncadd.s32 $0xFFFFF800  }
0x43: {  	_ =	swait.ge [sflag:s26], $0x800  }
0x44: {  	[sflag:s26] =	ssyncset.done $0x0  }
0x45: {  	[sflag:s26] =	ssyncadd.s32 $0xFFFFF800  }
0x46: {  	_ =	swait.ge [sflag:s26], $0x800  }
0x47: {  	[sflag:s26] =	ssyncset.done $0x0  }
0x48: {  	[sflag:s26] =	ssyncadd.s32 $0xFFFFF800  }
0x49: {  	_ =	swait.ge [sflag:s26], $0x800  }
0x4a: {  	[sflag:s26] =	ssyncset.done $0x0  }
0x4b: {  	[sflag:s26] =	ssyncadd.s32 $0xFFFFF800  }
0x4c: {  	_ =	swait.ge [sflag:s26], $0x800  }
0x4d: {  	[sflag:s26] =	ssyncset.done $0x0  }
0x4e: {  	[sflag:s26] =	ssyncadd.s32 $0xFFFFF800  }
0x4f: {  	_ =	swait.ge [sflag:s26], $0x800  }
0x50: {  	[sflag:s26] =	ssyncset.done $0x0  }
0x51: {  	[sflag:s26] =	ssyncadd.s32 $0xFFFFF800  }
0x52: {  	s10 =	sadd.s32 s7, s9;
	p0 =	seq.s32 s9, $0x1F;
	_ =	swait.ge [sflag:s26], $0x800  }
0x53: {  	s8 =	sshll.u32 @!p0 s10, $0x4;
	s13 =	simm.s32 @!p0 $0x0;
	[sflag:s26] =	ssyncset.done $0x0  }
0x54: {  	s14 =	simm.s32 @!p0 $0x9000;
	s2 =	sadd.s32 @!p0 s8, s11;
	[sflag:s26] =	ssyncadd.s32 $0xFFFFF800  }
0x55: {  	[tilespmem:s14], [sflag:$0x1] =	stream.linear.gather @!p0 [hbm4b:s2+s13], $0x40, $0x38;
	[tilespmem:$0x150C0] =	vst v63  }
0x56: {  	s18 =	sshll.u32 s9, $0x7;
	_ =	swait.ge [sflag:s28], $0x40  }
0x57: {  	s13 =	sand.u32 $0x3FFFFF80, s18;
	[sflag:s28] =	ssyncset.done $0x0  }
0x58: {  	s20 =	simm.s32 $0xD880;
	s2 =	sor.u32 $0x40, s13;
	[sflag:s28] =	ssyncadd.s32 $0xFFFFFFC0  }
0x59: {  	[tilespmem:s20], [sflag:$0x4] =	stream.indirect.gather [hbm4b:s5+s21], $0x20, s2, s21, $0xb8;
	[tilespmem:$0x150C0] =	vst v63  }
0x5a: {  	s16 =	sadd.s32 $0x1040, s13  }
0x5b: {  	[tilespmem:s30], [sflag:$0x4] =	stream.indirect.gather [hbm4b:s5+s21], $0x20, s16, s21, $0xb8;
	[tilespmem:$0x150C0] =	vst v63  }
0x5c: {  	s18 =	sadd.s32 $0x2040, s13  }
0x5d: {  	[tilespmem:s31], [sflag:$0x4] =	stream.indirect.gather [hbm4b:s5+s21], $0x20, s18, s21, $0xb8;
	[tilespmem:$0x150C0] =	vst v63  }
0x5e: {  	s20 =	sadd.s32 $0x3040, s13  }
0x5f: {  	[tilespmem:s0], [sflag:$0x4] =	stream.indirect.gather [hbm4b:s5+s21], $0x20, s20, s21, $0xb8;
	[tilespmem:$0x150C0] =	vst v63  }
0x60: {  	s14 =	sadd.s32 $0x4040, s13  }
0x61: {  	[tilespmem:s3], [sflag:$0x4] =	stream.indirect.gather [hbm4b:s5+s21], $0x20, s14, s21, $0xb8;
	[tilespmem:$0x150C0] =	vst v63  }
0x62: {  	s16 =	sadd.s32 $0x5040, s13  }
0x63: {  	[tilespmem:s1], [sflag:$0x4] =	stream.indirect.gather [hbm4b:s5+s21], $0x20, s16, s21, $0xb8;
	[tilespmem:$0x150C0] =	vst v63  }
0x64: {  	s18 =	sadd.s32 $0x6040, s13  }
0x65: {  	[tilespmem:s15], [sflag:$0x4] =	stream.indirect.gather [hbm4b:s5+s21], $0x20, s18, s21, $0xb8;
	[tilespmem:$0x150C0] =	vst v63  }
0x66: {  	s20 =	sadd.s32 $0x7040, s13  }
0x67: {  	[tilespmem:s22], [sflag:$0x4] =	stream.indirect.gather [hbm4b:s5+s21], $0x20, s20, s21, $0xb8;
	[tilespmem:$0x150C0] =	vst v63  }
0x68: {  	p1 =	seq.s32 s9, $0x0;
	s14 =	sadd.s32 $0x8040, s13  }
0x69: {  	[tilespmem:s23], [sflag:$0x4] =	stream.indirect.gather [hbm4b:s5+s21], $0x20, s14, s21, $0xb8;
	[tilespmem:$0x150C0] =	vst v63  }
0x6a: {  	s2 =	simm.s32 @!p1 $0x5  }
0x6b: {  	[tilespmem:s24], [sflag:$0x4] =	stream.indirect.gather [hbm4b:s6+s21], $0x20, s19, s21, $0xb8;
	[tilespmem:$0x150C0] =	vst v63  }
0x6c: {  	_ =	swait.ge @!p1 [sflag:s2], $0x2040  }
0x6d: {  	[sflag:s2] =	ssyncset.done @!p1 $0x0  }
0x6e: {  	s16 =	simm.s32 $0x120A0;
	[sflag:s2] =	ssyncadd.s32 @!p1 $0xFFFFDFC0  }
0x6f: {  	s18 =	simm.s32 $0x9080;
	v0 =	vld [tilespmem:s16+$0x0]  }
0x70: {  	v1 =	vld [tilespmem:s18+$0x20];
	_ =	sdelay $0x1  }
0x71: {  	v2 =	vld [tilespmem:s18+$0x820]  }
0x72: {  	v3 =	vld [tilespmem:s18+$0x0]  }
0x73: {  	v4 =	vld [tilespmem:s18+$0x1020]  }
0x74: {  	v5 =	vld [tilespmem:s16+$0xFFFFFFE0];
	v6 =	vadd.f32 v1, v0;
	v0 =	vshll.u32 v0, $0x10;
	v1 =	vshll.u32 v1, $0x10  }
0x75: {  	v7 =	vld [tilespmem:s18+$0x1820];
	v0 =	vadd.f32 v1, v0  }
0x76: {  	v8 =	vshll.u32 v2, $0x10;
	v1 =	vld [tilespmem:s18+$0x800];
	v2 =	vadd.f32 v2, v6  }
0x77: {  	v6 =	vld [tilespmem:s18+$0x2020];
	v0 =	vadd.f32 v8, v0  }
0x78: {  	v9 =	vshll.u32 v3, $0x10;
	v10 =	vshll.u32 v4, $0x10;
	v8 =	vld [tilespmem:s18+$0x1000];
	v2 =	vadd.f32 v4, v2  }
0x79: {  	v3 =	vadd.f32 v3, v5;
	v4 =	vshll.u32 v5, $0x10;
	v5 =	vld [tilespmem:s18+$0x2820];
	v0 =	vadd.f32 v10, v0  }
0x7a: {  	v4 =	vadd.f32 v9, v4;
	v9 =	vld [tilespmem:s18+$0x1800];
	v10 =	vshll.u32 v7, $0x10;
	v2 =	vadd.f32 v7, v2  }
0x7b: {  	v7 =	vshll.u32 v1, $0x10;
	v1 =	vadd.f32 v1, v3;
	v3 =	vld [tilespmem:s18+$0x3020];
	v0 =	vadd.f32 v10, v0  }
0x7c: {  	v4 =	vadd.f32 v7, v4;
	v7 =	vld [tilespmem:s18+$0x2000];
	v10 =	vshll.u32 v6, $0x10;
	v2 =	vadd.f32 v6, v2  }
0x7d: {  	v6 =	vshll.u32 v8, $0x10;
	v1 =	vadd.f32 v8, v1;
	v8 =	vld [tilespmem:s18+$0x3820];
	v0 =	vadd.f32 v10, v0  }
0x7e: {  	v4 =	vadd.f32 v6, v4;
	v6 =	vld [tilespmem:s18+$0x2800];
	v10 =	vshll.u32 v5, $0x10;
	v2 =	vadd.f32 v5, v2  }
0x7f: {  	v5 =	vshll.u32 v9, $0x10;
	v1 =	vadd.f32 v9, v1;
	v9 =	vld [tilespmem:s18+$0x4020];
	v0 =	vadd.f32 v10, v0  }
0x80: {  	v4 =	vadd.f32 v5, v4;
	v5 =	vld [tilespmem:s18+$0x3000];
	v10 =	vshll.u32 v3, $0x10;
	v2 =	vadd.f32 v3, v2  }
0x81: {  	v3 =	vshll.u32 v7, $0x10;
	v1 =	vadd.f32 v7, v1;
	v0 =	vadd.f32 v10, v0  }
0x82: {  	v7 =	vld [tilespmem:s18+$0x3800];
	v3 =	vadd.f32 v3, v4;
	v4 =	vshll.u32 v8, $0x10;
	v2 =	vadd.f32 v8, v2  }
0x83: {  	v8 =	vshll.u32 v6, $0x10;
	v1 =	vadd.f32 v6, v1;
	v0 =	vadd.f32 v4, v0  }
0x84: {  	v6 =	vld [tilespmem:s18+$0x4000];
	v3 =	vadd.f32 v8, v3;
	v4 =	vshll.u32 v9, $0x10;
	v2 =	vadd.f32 v9, v2  }
0x85: {  	s20 =	simm.s32 $0x130E0;
	v8 =	vshll.u32 v5, $0x10;
	v1 =	vadd.f32 v5, v1;
	v0 =	vadd.f32 v4, v0  }
0x86: {  	v3 =	vadd.f32 v8, v3;
	[tilespmem:s20+$0x30] =	vst v2  }
0x87: {  	v4 =	vshll.u32 v7, $0x10;
	v1 =	vadd.f32 v7, v1;
	[tilespmem:s20+$0x20] =	vst v0  }
0x88: {  	v0 =	vadd.f32 v4, v3;
	v3 =	vld [tilespmem:s16+$0x10]  }
0x89: {  	v2 =	vshll.u32 v6, $0x10;
	v1 =	vadd.f32 v6, v1;
	v4 =	vld [tilespmem:s18+$0x30]  }
0x8a: {  	v5 =	vld [tilespmem:s18+$0x1830];
	v0 =	vadd.f32 v2, v0  }
0x8b: {  	[tilespmem:s20+$0xFFFFFFF0] =	vst v1;
	v1 =	vld [tilespmem:s18+$0x830]  }
0x8c: {  	[tilespmem:s20+$0xFFFFFFE0] =	vst v0;
	v0 =	vld [tilespmem:s18+$0x1030]  }
0x8d: {  	v2 =	vld [tilespmem:s16+$0xFFFFFFF0]  }
0x8e: {  	v6 =	vld [tilespmem:s18+$0x10];
	v7 =	vshll.u32 v3, $0x10;
	v8 =	vshll.u32 v4, $0x10;
	v3 =	vadd.f32 v4, v3  }
0x8f: {  	v4 =	vld [tilespmem:s18+$0x2030];
	v7 =	vadd.f32 v8, v7  }
0x90: {  	v8 =	vld [tilespmem:s18+$0x810];
	v9 =	vshll.u32 v1, $0x10;
	v1 =	vadd.f32 v1, v3  }
0x91: {  	s2 =	simm.s32 $0x120E0;
	v3 =	vld [tilespmem:s18+$0x2830];
	v7 =	vadd.f32 v9, v7  }
0x92: {  	s14 =	simm.s32 $0x90C0;
	v9 =	vld [tilespmem:s2+$0x0];
	v10 =	vshll.u32 v0, $0x10;
	v0 =	vadd.f32 v0, v1  }
0x93: {  	v12 =	vshll.u32 v5, $0x10;
	v11 =	vshll.u32 v2, $0x10;
	v7 =	vadd.f32 v10, v7;
	v10 =	vld [tilespmem:s14+$0x20]  }
0x94: {  	v14 =	vld [tilespmem:s2+$0xFFFFFFE0];
	v13 =	vshll.u32 v6, $0x10;
	v2 =	vadd.f32 v6, v2;
	v0 =	vadd.f32 v5, v0  }
0x95: {  	v1 =	vld [tilespmem:s18+$0x3030];
	v11 =	vadd.f32 v13, v11;
	v13 =	vshll.u32 v8, $0x10;
	v6 =	vadd.f32 v12, v7  }
0x96: {  	v2 =	vadd.f32 v8, v2;
	v7 =	vld [tilespmem:s14+$0x820];
	v12 =	vshll.u32 v4, $0x10;
	v0 =	vadd.f32 v4, v0  }
0x97: {  	v8 =	vld [tilespmem:s14+$0x0];
	v11 =	vadd.f32 v13, v11;
	v6 =	vadd.f32 v12, v6  }
0x98: {  	v12 =	vshll.u32 v3, $0x10;
	v0 =	vadd.f32 v3, v0;
	v3 =	vld [tilespmem:s14+$0x1020];
	v13 =	vadd.f32 v10, v9  }
0x99: {  	v5 =	vld [tilespmem:s18+$0x3830];
	v9 =	vshll.u32 v9, $0x10;
	v10 =	vshll.u32 v10, $0x10;
	v6 =	vadd.f32 v12, v6  }
0x9a: {  	v12 =	vshll.u32 v1, $0x10;
	v9 =	vadd.f32 v10, v9;
	v10 =	vld [tilespmem:s14+$0x1820];
	v0 =	vadd.f32 v1, v0  }
0x9b: {  	v1 =	vld [tilespmem:s14+$0x800];
	v15 =	vshll.u32 v7, $0x10;
	v7 =	vadd.f32 v7, v13;
	v6 =	vadd.f32 v12, v6  }
0x9c: {  	v13 =	vld [tilespmem:s14+$0x2020];
	v9 =	vadd.f32 v15, v9;
	v15 =	vshll.u32 v8, $0x10;
	v8 =	vadd.f32 v8, v14  }
0x9d: {  	v16 =	vld [tilespmem:s14+$0x1000];
	v14 =	vshll.u32 v14, $0x10;
	v7 =	vadd.f32 v3, v7;
	v3 =	vshll.u32 v3, $0x10  }
0x9e: {  	v12 =	vshll.u32 v5, $0x10;
	v14 =	vadd.f32 v15, v14;
	v3 =	vadd.f32 v3, v9;
	v9 =	vld [tilespmem:s14+$0x2820]  }
0x9f: {  	v15 =	vld [tilespmem:s14+$0x1800];
	v6 =	vadd.f32 v12, v6;
	v7 =	vadd.f32 v10, v7;
	v10 =	vshll.u32 v10, $0x10  }
0xa0: {  	v8 =	vadd.f32 v1, v8;
	v1 =	vshll.u32 v1, $0x10;
	v3 =	vadd.f32 v10, v3;
	v10 =	vld [tilespmem:s14+$0x3020]  }
0xa1: {  	v1 =	vadd.f32 v1, v14;
	v14 =	vld [tilespmem:s14+$0x2000];
	v7 =	vadd.f32 v13, v7;
	v13 =	vshll.u32 v13, $0x10  }
0xa2: {  	v59 =	vld [tilespmem:s14+$0x2800];
	v8 =	vadd.f32 v16, v8;
	v16 =	vshll.u32 v16, $0x10;
	v3 =	vadd.f32 v13, v3  }
0xa3: {  	v13 =	vld [tilespmem:s14+$0x3820];
	v1 =	vadd.f32 v16, v1;
	v7 =	vadd.f32 v9, v7;
	v9 =	vshll.u32 v9, $0x10  }
0xa4: {  	v8 =	vadd.f32 v15, v8;
	v15 =	vshll.u32 v15, $0x10;
	v3 =	vadd.f32 v9, v3;
	v9 =	vld [tilespmem:s14+$0x4020]  }
0xa5: {  	v1 =	vadd.f32 v15, v1;
	v15 =	vld [tilespmem:s14+$0x3000];
	v7 =	vadd.f32 v10, v7  }
0xa6: {  	v4 =	vld [tilespmem:s18+$0x4030];
	v10 =	vshll.u32 v10, $0x10;
	v8 =	vadd.f32 v14, v8;
	v14 =	vshll.u32 v14, $0x10  }
0xa7: {  	v61 =	vld [tilespmem:s18+$0x2010];
	v16 =	vshll.u32 v59, $0x10;
	v3 =	vadd.f32 v10, v3;
	v1 =	vadd.f32 v14, v1  }
0xa8: {  	v10 =	vld [tilespmem:s14+$0x3800];
	v7 =	vadd.f32 v13, v7;
	v13 =	vshll.u32 v13, $0x10;
	v8 =	vadd.f32 v59, v8  }
0xa9: {  	v3 =	vadd.f32 v13, v3;
	v13 =	vld [tilespmem:s18+$0x1010];
	v1 =	vadd.f32 v16, v1  }
0xaa: {  	v14 =	vld [tilespmem:s14+$0x4000];
	v60 =	vshll.u32 v9, $0x10;
	v7 =	vadd.f32 v9, v7;
	v12 =	vshll.u32 v15, $0x10  }
0xab: {  	s16 =	simm.s32 $0x13160;
	v9 =	vld [tilespmem:s18+$0x1810];
	v8 =	vadd.f32 v15, v8;
	v15 =	vshll.u32 v4, $0x10;
	v3 =	vadd.f32 v60, v3  }
0xac: {  	v1 =	vadd.f32 v12, v1;
	v12 =	vadd.f32 v15, v6;
	v15 =	vld [tilespmem:s18+$0x3010];
	[tilespmem:s16+$0x30] =	vst v7  }
0xad: {  	v0 =	vadd.f32 v5, v0;
	v7 =	vld [tilespmem:s18+$0x2810];
	v5 =	vshll.u32 v10, $0x10;
	[tilespmem:s16+$0x20] =	vst v3  }
0xae: {  	v3 =	vadd.f32 v10, v8;
	v1 =	vadd.f32 v5, v1;
	v5 =	vld [tilespmem:s2+$0x10];
	v6 =	vshll.u32 v13, $0x10  }
0xaf: {  	v8 =	vshll.u32 v14, $0x10;
	v2 =	vadd.f32 v13, v2;
	v10 =	vld [tilespmem:s14+$0x30];
	v6 =	vadd.f32 v6, v11  }
0xb0: {  	v3 =	vadd.f32 v14, v3;
	v11 =	vshll.u32 v9, $0x10;
	v8 =	vadd.f32 v8, v1;
	v1 =	vld [tilespmem:s18+$0x3810]  }
0xb1: {  	v13 =	vld [tilespmem:s14+$0x830];
	v2 =	vadd.f32 v9, v2;
	v6 =	vadd.f32 v11, v6  }
0xb2: {  	v4 =	vadd.f32 v4, v0;
	v14 =	vld [tilespmem:s14+$0x1030];
	v9 =	vshll.u32 v61, $0x10;
	[tilespmem:s16+$0xFFFFFFF0] =	vst v3;
	v3 =	vshll.u32 v7, $0x10  }
0xb3: {  	v0 =	vld [tilespmem:s18+$0x4010];
	[tilespmem:s16+$0xFFFFFFE0] =	vst v8;
	v11 =	vshll.u32 v15, $0x10;
	v8 =	vadd.f32 v61, v2;
	v6 =	vadd.f32 v9, v6  }
0xb4: {  	v2 =	vld [tilespmem:s2+$0xFFFFFFF0];
	v9 =	vshll.u32 v5, $0x10;
	v62 =	vshll.u32 v10, $0x10;
	v5 =	vadd.f32 v10, v5  }
0xb5: {  	v10 =	vadd.f32 v62, v9;
	v9 =	vld [tilespmem:s14+$0x1830];
	v63 =	vshll.u32 v1, $0x10;
	v3 =	vadd.f32 v3, v6  }
0xb6: {  	v8 =	vadd.f32 v7, v8;
	v6 =	vld [tilespmem:s14+$0x10];
	v17 =	vadd.f32 v13, v5;
	v5 =	vshll.u32 v13, $0x10  }
0xb7: {  	[tilespmem:s20+$0x40] =	vst v12;
	v12 =	vshll.u32 v14, $0x10;
	v18 =	vadd.f32 v5, v10;
	v5 =	vld [tilespmem:s14+$0x2030];
	v19 =	vadd.f32 v11, v3  }
0xb8: {  	v7 =	vld [tilespmem:s14+$0x810];
	v3 =	vshll.u32 v0, $0x10;
	v13 =	vadd.f32 v14, v17;
	v11 =	vadd.f32 v15, v8  }
0xb9: {  	s29 =	simm.s32 $0x90C0;
	[tilespmem:s20+$0x50] =	vst v4;
	s18 =	simm.s32 $0x2;
	s2 =	simm.s32 $0x12120;
	v10 =	vshll.u32 v2, $0x10;
	v8 =	vld [tilespmem:s14+$0x2830];
	v12 =	vadd.f32 v12, v18;
	v4 =	vadd.f32 v63, v19  }
.LBB2_3:
0xba: {  	v14 =	vld [tilespmem:s2+$0x0];
	v15 =	vshll.u32 v9, $0x10;
	v9 =	vadd.f32 v9, v13;
	v11 =	vadd.f32 v1, v11  }
0xbb: {  	s29 =	sadd.s32 $0x40, s29;
	v1 =	vshll.u32 v6, $0x10;
	v2 =	vadd.f32 v6, v2;
	v6 =	vadd.f32 v15, v12;
	v12 =	vld [tilespmem:s14+$0x3030]  }
0xbc: {  	v13 =	vld [tilespmem:s29+$0x20];
	v10 =	vadd.f32 v1, v10;
	v15 =	vshll.u32 v5, $0x10;
	v5 =	vadd.f32 v5, v9  }
0xbd: {  	v9 =	vshll.u32 v7, $0x10;
	v1 =	vadd.f32 v7, v2;
	v6 =	vadd.f32 v15, v6;
	v7 =	vld [tilespmem:s14+$0x3830]  }
0xbe: {  	s18 =	sadd.s32 $0x2, s18;
	v15 =	vld [tilespmem:s29+$0x820];
	v2 =	vadd.f32 v9, v10;
	v9 =	vshll.u32 v8, $0x10;
	v5 =	vadd.f32 v8, v5  }
0xbf: {  	p1 =	slt.u32 s18, $0x3E;
	v3 =	vadd.f32 v3, v4;
	v6 =	vadd.f32 v9, v6;
	v8 =	vld [tilespmem:s14+$0x4030]  }
0xc0: {  	v0 =	vadd.f32 v0, v11;
	v4 =	vld [tilespmem:s29+$0x0];
	v9 =	vshll.u32 v12, $0x10;
	v5 =	vadd.f32 v12, v5  }
0xc1: {  	v10 =	vadd.f32 v13, v14;
	v11 =	vld [tilespmem:s29+$0x1020];
	v6 =	vadd.f32 v9, v6;
	[tilespmem:s20+$0x0] =	vst v3  }
0xc2: {  	v9 =	vshll.u32 v14, $0x10;
	v12 =	vshll.u32 v13, $0x10;
	v3 =	vld [tilespmem:s2+$0xFFFFFFE0];
	v13 =	vshll.u32 v7, $0x10;
	[tilespmem:s20+$0x10] =	vst v0;
	s20 =	smov.u32 s16  }
0xc3: {  	v0 =	vadd.f32 v12, v9;
	v9 =	vld [tilespmem:s29+$0x1820];
	v6 =	vadd.f32 v13, v6  }
0xc4: {  	v13 =	vshll.u32 v15, $0x10;
	v10 =	vadd.f32 v15, v10;
	v12 =	vld [tilespmem:s29+$0x800];
	v14 =	vshll.u32 v8, $0x10  }
0xc5: {  	v0 =	vadd.f32 v13, v0;
	v15 =	vshll.u32 v4, $0x10;
	v13 =	vld [tilespmem:s29+$0x2020];
	v6 =	vadd.f32 v14, v6  }
0xc6: {  	v5 =	vadd.f32 v7, v5;
	v14 =	vld [tilespmem:s29+$0x1000];
	v16 =	vshll.u32 v11, $0x10;
	v10 =	vadd.f32 v11, v10  }
0xc7: {  	v7 =	vshll.u32 v3, $0x10;
	v3 =	vadd.f32 v4, v3;
	v0 =	vadd.f32 v16, v0;
	v4 =	vld [tilespmem:s29+$0x2820];
	[tilespmem:s16+$0x40] =	vst v6  }
0xc8: {  	v6 =	vadd.f32 v15, v7;
	v7 =	vld [tilespmem:s29+$0x1800];
	v11 =	vshll.u32 v9, $0x10;
	v9 =	vadd.f32 v9, v10  }
0xc9: {  	v10 =	vshll.u32 v12, $0x10;
	v3 =	vadd.f32 v12, v3;
	v0 =	vadd.f32 v11, v0;
	v11 =	vld [tilespmem:s29+$0x3020]  }
0xca: {  	v6 =	vadd.f32 v10, v6;
	v10 =	vld [tilespmem:s29+$0x2000];
	v12 =	vshll.u32 v13, $0x10;
	v9 =	vadd.f32 v13, v9  }
0xcb: {  	v13 =	vshll.u32 v14, $0x10;
	v3 =	vadd.f32 v14, v3;
	v0 =	vadd.f32 v12, v0;
	v12 =	vld [tilespmem:s29+$0x3820]  }
0xcc: {  	v6 =	vadd.f32 v13, v6;
	v13 =	vld [tilespmem:s29+$0x2800];
	v14 =	vshll.u32 v4, $0x10;
	v4 =	vadd.f32 v4, v9  }
0xcd: {  	v9 =	vshll.u32 v7, $0x10;
	v3 =	vadd.f32 v7, v3;
	v0 =	vadd.f32 v14, v0;
	v7 =	vld [tilespmem:s29+$0x4020]  }
0xce: {  	v6 =	vadd.f32 v9, v6;
	v9 =	vld [tilespmem:s29+$0x3000];
	v14 =	vshll.u32 v11, $0x10;
	v4 =	vadd.f32 v11, v4  }
0xcf: {  	v11 =	vshll.u32 v10, $0x10;
	v3 =	vadd.f32 v10, v3;
	v10 =	vld [tilespmem:s29+$0x3800];
	v0 =	vadd.f32 v14, v0  }
0xd0: {  	v6 =	vadd.f32 v11, v6;
	v11 =	vld [tilespmem:s29+$0x4000];
	v14 =	vshll.u32 v12, $0x10;
	v4 =	vadd.f32 v12, v4  }
0xd1: {  	v12 =	vshll.u32 v13, $0x10;
	v3 =	vadd.f32 v13, v3;
	v0 =	vadd.f32 v14, v0;
	v13 =	vld [tilespmem:s14+$0x1010]  }
0xd2: {  	v6 =	vadd.f32 v12, v6;
	v12 =	vshll.u32 v7, $0x10;
	v4 =	vadd.f32 v7, v4;
	v7 =	vld [tilespmem:s14+$0x1810]  }
0xd3: {  	s16 =	sadd.s32 $0x80, s16;
	v14 =	vshll.u32 v9, $0x10;
	v3 =	vadd.f32 v9, v3;
	v0 =	vadd.f32 v12, v0;
	v9 =	vld [tilespmem:s14+$0x2010]  }
0xd4: {  	v5 =	vadd.f32 v8, v5;
	v6 =	vadd.f32 v14, v6;
	v12 =	vshll.u32 v10, $0x10;
	[tilespmem:s16+$0x30] =	vst v4;
	v4 =	vld [tilespmem:s14+$0x2810]  }
0xd5: {  	v3 =	vadd.f32 v10, v3;
	v8 =	vshll.u32 v11, $0x10;
	[tilespmem:s16+$0x20] =	vst v0;
	v10 =	vld [tilespmem:s14+$0x3010]  }
0xd6: {  	v0 =	vadd.f32 v12, v6;
	v6 =	vld [tilespmem:s2+$0x10];
	v12 =	vshll.u32 v13, $0x10;
	v1 =	vadd.f32 v13, v1;
	[tilespmem:s20+$0x50] =	vst v5  }
0xd7: {  	v3 =	vadd.f32 v11, v3;
	v5 =	vld [tilespmem:s29+$0x30];
	v2 =	vadd.f32 v12, v2;
	v11 =	vshll.u32 v7, $0x10  }
0xd8: {  	v0 =	vadd.f32 v8, v0;
	v7 =	vadd.f32 v7, v1;
	v8 =	vshll.u32 v9, $0x10;
	v1 =	vld [tilespmem:s14+$0x3810]  }
0xd9: {  	[tilespmem:s16+$0xFFFFFFF0] =	vst v3;
	v3 =	vld [tilespmem:s29+$0x830];
	v2 =	vadd.f32 v11, v2;
	v11 =	vshll.u32 v4, $0x10  }
0xda: {  	[tilespmem:s16+$0xFFFFFFE0] =	vst v0;
	v7 =	vadd.f32 v9, v7;
	v12 =	vshll.u32 v10, $0x10;
	v0 =	vld [tilespmem:s14+$0x4010];
	s14 =	smov.u32 s29  }
0xdb: {  	v13 =	vld [tilespmem:s29+$0x1030];
	v8 =	vadd.f32 v8, v2  }
0xdc: {  	v9 =	vshll.u32 v6, $0x10;
	v2 =	vld [tilespmem:s2+$0xFFFFFFF0];
	v14 =	vshll.u32 v5, $0x10;
	v5 =	vadd.f32 v5, v6  }
.Ltmp0:
0xdd: {  	v14 =	vadd.f32 v14, v9;
	v9 =	vld [tilespmem:s29+$0x1830];
	v8 =	vadd.f32 v11, v8;
	v15 =	vshll.u32 v1, $0x10;
	(pc) =	sbr.rel @p1 .LBB2_3-.Ltmp0, $4  }
0xde: {  	v4 =	vadd.f32 v4, v7;
	v6 =	vld [tilespmem:s29+$0x10];
	v11 =	vshll.u32 v3, $0x10;
	v16 =	vadd.f32 v3, v5  }
0xdf: {  	v14 =	vadd.f32 v11, v14;
	v5 =	vld [tilespmem:s29+$0x2030];
	v17 =	vadd.f32 v12, v8;
	v3 =	vshll.u32 v0, $0x10  }
0xe0: {  	v11 =	vadd.f32 v10, v4;
	v7 =	vld [tilespmem:s29+$0x810];
	v8 =	vshll.u32 v13, $0x10;
	v13 =	vadd.f32 v13, v16  }
0xe1: {  	s2 =	sadd.s32 $0x40, s2;
	v10 =	vshll.u32 v2, $0x10;
	v12 =	vadd.f32 v8, v14;
	v8 =	vld [tilespmem:s29+$0x2830];
	v4 =	vadd.f32 v15, v17  }
0xe2: {  	v14 =	vld [tilespmem:s14+$0x1010];
	v16 =	vshll.u32 v9, $0x10  }
0xe3: {  	v9 =	vadd.f32 v9, v13;
	v15 =	vshll.u32 v6, $0x10;
	v2 =	vadd.f32 v6, v2  }
0xe4: {  	v13 =	vld [tilespmem:s14+$0x1810];
	v1 =	vadd.f32 v1, v11;
	v10 =	vadd.f32 v15, v10  }
0xe5: {  	v11 =	vadd.f32 v16, v12;
	v6 =	vshll.u32 v7, $0x10;
	v2 =	vadd.f32 v7, v2  }
0xe6: {  	v12 =	vshll.u32 v5, $0x10;
	v5 =	vadd.f32 v5, v9;
	v6 =	vadd.f32 v6, v10;
	v10 =	vld [tilespmem:s14+$0x2010]  }
0xe7: {  	v15 =	vld [tilespmem:s14+$0x3030];
	v9 =	vadd.f32 v12, v11;
	v7 =	vshll.u32 v14, $0x10;
	v2 =	vadd.f32 v14, v2  }
0xe8: {  	v12 =	vld [tilespmem:s14+$0x2810];
	v11 =	vshll.u32 v8, $0x10;
	v5 =	vadd.f32 v8, v5;
	v6 =	vadd.f32 v7, v6  }
0xe9: {  	v8 =	vshll.u32 v13, $0x10;
	v9 =	vadd.f32 v11, v9;
	v11 =	vld [tilespmem:s14+$0x3010];
	v2 =	vadd.f32 v13, v2  }
0xea: {  	v7 =	vld [tilespmem:s14+$0x3830];
	v6 =	vadd.f32 v8, v6  }
0xeb: {  	v3 =	vadd.f32 v3, v4;
	v14 =	vld [tilespmem:s14+$0x3810];
	v4 =	vshll.u32 v10, $0x10;
	v2 =	vadd.f32 v10, v2  }
0xec: {  	v0 =	vadd.f32 v0, v1;
	v13 =	vshll.u32 v15, $0x10;
	v8 =	vld [tilespmem:s14+$0x4030];
	v4 =	vadd.f32 v4, v6  }
0xed: {  	v5 =	vadd.f32 v15, v5;
	v1 =	vshll.u32 v12, $0x10;
	v2 =	vadd.f32 v12, v2  }
0xee: {  	v6 =	vadd.f32 v13, v9;
	v9 =	vld [tilespmem:s14+$0x4010];
	v10 =	vshll.u32 v11, $0x10;
	v1 =	vadd.f32 v1, v4  }
0xef: {  	v5 =	vadd.f32 v7, v5;
	v4 =	vshll.u32 v7, $0x10;
	v2 =	vadd.f32 v11, v2  }
0xf0: {  	v7 =	vshll.u32 v14, $0x10;
	v4 =	vadd.f32 v4, v6;
	v1 =	vadd.f32 v10, v1  }
0xf1: {  	[tilespmem:s20+$0x10] =	vst v0;
	v6 =	vshll.u32 v8, $0x10;
	v0 =	vadd.f32 v8, v5;
	v2 =	vadd.f32 v14, v2  }
0xf2: {  	[tilespmem:s20+$0x0] =	vst v3;
	v3 =	vadd.f32 v6, v4;
	v1 =	vadd.f32 v7, v1  }
0xf3: {  	v4 =	vshll.u32 v9, $0x10;
	[tilespmem:s16+$0x50] =	vst v0;
	v0 =	vadd.f32 v9, v2  }
0xf4: {  	[tilespmem:s16+$0x40] =	vst v3;
	v1 =	vadd.f32 v4, v1  }
0xf5: {  	[tilespmem:s16+$0x10] =	vst v0  }
0xf6: {  	[tilespmem:s16+$0x0] =	vst v1  }
0xf7: {  	_ =	swait.ge [sflag:s25], $0x800  }
0xf8: {  	[sflag:s25] =	ssyncset.done $0x0  }
0xf9: {  	[sflag:s25] =	ssyncadd.s32 $0xFFFFF800  }
0xfa: {  	_ =	swait.ge [sflag:s25], $0x800  }
0xfb: {  	[sflag:s25] =	ssyncset.done $0x0  }
0xfc: {  	[sflag:s25] =	ssyncadd.s32 $0xFFFFF800  }
0xfd: {  	_ =	swait.ge [sflag:s25], $0x800  }
0xfe: {  	[sflag:s25] =	ssyncset.done $0x0  }
0xff: {  	[sflag:s25] =	ssyncadd.s32 $0xFFFFF800  }
0x100: {  	_ =	swait.ge [sflag:s25], $0x800  }
0x101: {  	[sflag:s25] =	ssyncset.done $0x0  }
0x102: {  	[sflag:s25] =	ssyncadd.s32 $0xFFFFF800  }
0x103: {  	_ =	swait.ge [sflag:s25], $0x800  }
0x104: {  	[sflag:s25] =	ssyncset.done $0x0  }
0x105: {  	[sflag:s25] =	ssyncadd.s32 $0xFFFFF800  }
0x106: {  	_ =	swait.ge [sflag:s25], $0x800  }
0x107: {  	[sflag:s25] =	ssyncset.done $0x0  }
0x108: {  	[sflag:s25] =	ssyncadd.s32 $0xFFFFF800  }
0x109: {  	_ =	swait.ge [sflag:s25], $0x800  }
0x10a: {  	[sflag:s25] =	ssyncset.done $0x0  }
0x10b: {  	[sflag:s25] =	ssyncadd.s32 $0xFFFFF800  }
0x10c: {  	_ =	swait.ge [sflag:s25], $0x800  }
0x10d: {  	[sflag:s25] =	ssyncset.done $0x0  }
0x10e: {  	[sflag:s25] =	ssyncadd.s32 $0xFFFFF800  }
0x10f: {  	_ =	swait.ge [sflag:s25], $0x800  }
0x110: {  	[sflag:s25] =	ssyncset.done $0x0  }
0x111: {  	[sflag:s25] =	ssyncadd.s32 $0xFFFFF800  }
0x112: {  	_ =	swait.ge [sflag:s25], $0x800  }
0x113: {  	s2 =	sadd.s32 @!p0 s8, s12;
	[sflag:s25] =	ssyncset.done $0x0  }
0x114: {  	s8 =	simm.s32 @!p0 $0x0;
	s14 =	simm.s32 @!p0 $0x9040;
	[sflag:s25] =	ssyncadd.s32 $0xFFFFF800  }
0x115: {  	[tilespmem:s14], [sflag:$0x2] =	stream.linear.gather @!p0 [hbm4b:s2+s8], $0x40, $0x38;
	[tilespmem:$0x150C0] =	vst v63  }
0x116: {  	s2 =	simm.s32 @!p0 $0x1  }
0x117: {  	_ =	swait.ge @!p0 [sflag:s2], $0x40  }
0x118: {  	s8 =	simm.s32 @!p0 $0x40;
	[sflag:s2] =	ssyncset.done @!p0 $0x0  }
0x119: {  	s14 =	simm.s32 @!p0 $0x9080;
	[sflag:s2] =	ssyncadd.s32 @!p0 $0xFFFFFFC0;
	s2 =	sadd.s32 @!p0 $0x80, s13  }
0x11a: {  	[tilespmem:s14], [sflag:$0x3] =	stream.indirect.gather @!p0 [hbm4b:s5+s8], $0x20, s2, s8, $0xb8;
	[tilespmem:$0x150C0] =	vst v63  }
0x11b: {  	s2 =	sadd.s32 @!p0 $0x1080, s13;
	s14 =	simm.s32 @!p0 $0x9880  }
0x11c: {  	[tilespmem:s14], [sflag:$0x3] =	stream.indirect.gather @!p0 [hbm4b:s5+s8], $0x20, s2, s8, $0xb8;
	[tilespmem:$0x150C0] =	vst v63  }
0x11d: {  	s2 =	sadd.s32 @!p0 $0x2080, s13;
	s14 =	simm.s32 @!p0 $0xA080  }
0x11e: {  	[tilespmem:s14], [sflag:$0x3] =	stream.indirect.gather @!p0 [hbm4b:s5+s8], $0x20, s2, s8, $0xb8;
	[tilespmem:$0x150C0] =	vst v63  }
0x11f: {  	s2 =	sadd.s32 @!p0 $0x3080, s13;
	s14 =	simm.s32 @!p0 $0xA880  }
0x120: {  	[tilespmem:s14], [sflag:$0x3] =	stream.indirect.gather @!p0 [hbm4b:s5+s8], $0x20, s2, s8, $0xb8;
	[tilespmem:$0x150C0] =	vst v63  }
0x121: {  	s2 =	sadd.s32 @!p0 $0x4080, s13;
	s14 =	simm.s32 @!p0 $0xB080  }
0x122: {  	[tilespmem:s14], [sflag:$0x3] =	stream.indirect.gather @!p0 [hbm4b:s5+s8], $0x20, s2, s8, $0xb8;
	[tilespmem:$0x150C0] =	vst v63  }
0x123: {  	s2 =	sadd.s32 @!p0 $0x5080, s13;
	s14 =	simm.s32 @!p0 $0xB880  }
0x124: {  	[tilespmem:s14], [sflag:$0x3] =	stream.indirect.gather @!p0 [hbm4b:s5+s8], $0x20, s2, s8, $0xb8;
	[tilespmem:$0x150C0] =	vst v63  }
0x125: {  	s2 =	sadd.s32 @!p0 $0x6080, s13;
	s14 =	simm.s32 @!p0 $0xC080  }
0x126: {  	[tilespmem:s14], [sflag:$0x3] =	stream.indirect.gather @!p0 [hbm4b:s5+s8], $0x20, s2, s8, $0xb8;
	[tilespmem:$0x150C0] =	vst v63  }
0x127: {  	s2 =	sadd.s32 @!p0 $0x7080, s13;
	s14 =	simm.s32 @!p0 $0xC880  }
0x128: {  	[tilespmem:s14], [sflag:$0x3] =	stream.indirect.gather @!p0 [hbm4b:s5+s8], $0x20, s2, s8, $0xb8;
	[tilespmem:$0x150C0] =	vst v63  }
0x129: {  	s2 =	sadd.s32 @!p0 $0x8080, s13;
	s13 =	simm.s32 @!p0 $0xD080  }
0x12a: {  	[tilespmem:s13], [sflag:$0x3] =	stream.indirect.gather @!p0 [hbm4b:s5+s8], $0x20, s2, s8, $0xb8;
	[tilespmem:$0x150C0] =	vst v63  }
0x12b: {  	s18 =	simm.s32 $0x128A0;
	s2 =	simm.s32 @!p0 $0x9000;
	s13 =	simm.s32 @!p0 $0x12080  }
0x12c: {  	[tilespmem:s13], [sflag:$0x3] =	stream.indirect.gather @!p0 [hbm4b:s6+s8], $0x20, s2, s8, $0xb8;
	[tilespmem:$0x150C0] =	vst v63  }
0x12d: {  	s20 =	simm.s32 $0xD880;
	v0 =	vld [tilespmem:s18+$0x0]  }
0x12e: {  	v1 =	vld [tilespmem:s20+$0x20];
	_ =	sdelay $0x1  }
0x12f: {  	v2 =	vld [tilespmem:s20+$0x820]  }
0x130: {  	v3 =	vld [tilespmem:s20+$0x0]  }
0x131: {  	v4 =	vld [tilespmem:s20+$0x1020]  }
0x132: {  	v5 =	vld [tilespmem:s18+$0xFFFFFFE0];
	v6 =	vadd.f32 v1, v0;
	v0 =	vshll.u32 v0, $0x10;
	v1 =	vshll.u32 v1, $0x10  }
0x133: {  	v7 =	vld [tilespmem:s20+$0x1820];
	v0 =	vadd.f32 v1, v0  }
0x134: {  	v8 =	vshll.u32 v2, $0x10;
	v1 =	vld [tilespmem:s20+$0x800];
	v2 =	vadd.f32 v2, v6  }
0x135: {  	v6 =	vld [tilespmem:s20+$0x2020];
	v0 =	vadd.f32 v8, v0  }
0x136: {  	v9 =	vshll.u32 v3, $0x10;
	v10 =	vshll.u32 v4, $0x10;
	v8 =	vld [tilespmem:s20+$0x1000];
	v2 =	vadd.f32 v4, v2  }
0x137: {  	v3 =	vadd.f32 v3, v5;
	v4 =	vshll.u32 v5, $0x10;
	v5 =	vld [tilespmem:s20+$0x2820];
	v0 =	vadd.f32 v10, v0  }
0x138: {  	v4 =	vadd.f32 v9, v4;
	v9 =	vld [tilespmem:s20+$0x1800];
	v10 =	vshll.u32 v7, $0x10;
	v2 =	vadd.f32 v7, v2  }
0x139: {  	v7 =	vshll.u32 v1, $0x10;
	v1 =	vadd.f32 v1, v3;
	v3 =	vld [tilespmem:s20+$0x3020];
	v0 =	vadd.f32 v10, v0  }
0x13a: {  	v4 =	vadd.f32 v7, v4;
	v7 =	vld [tilespmem:s20+$0x2000];
	v10 =	vshll.u32 v6, $0x10;
	v2 =	vadd.f32 v6, v2  }
0x13b: {  	v6 =	vshll.u32 v8, $0x10;
	v1 =	vadd.f32 v8, v1;
	v8 =	vld [tilespmem:s20+$0x3820];
	v0 =	vadd.f32 v10, v0  }
0x13c: {  	v4 =	vadd.f32 v6, v4;
	v6 =	vld [tilespmem:s20+$0x2800];
	v10 =	vshll.u32 v5, $0x10;
	v2 =	vadd.f32 v5, v2  }
0x13d: {  	v5 =	vshll.u32 v9, $0x10;
	v1 =	vadd.f32 v9, v1;
	v9 =	vld [tilespmem:s20+$0x4020];
	v0 =	vadd.f32 v10, v0  }
0x13e: {  	v4 =	vadd.f32 v5, v4;
	v5 =	vld [tilespmem:s20+$0x3000];
	v10 =	vshll.u32 v3, $0x10;
	v2 =	vadd.f32 v3, v2  }
0x13f: {  	v3 =	vshll.u32 v7, $0x10;
	v1 =	vadd.f32 v7, v1;
	v0 =	vadd.f32 v10, v0  }
0x140: {  	v7 =	vld [tilespmem:s20+$0x3800];
	v3 =	vadd.f32 v3, v4;
	v4 =	vshll.u32 v8, $0x10;
	v2 =	vadd.f32 v8, v2  }
0x141: {  	v8 =	vshll.u32 v6, $0x10;
	v1 =	vadd.f32 v6, v1;
	v0 =	vadd.f32 v4, v0  }
0x142: {  	v6 =	vld [tilespmem:s20+$0x4000];
	v3 =	vadd.f32 v8, v3;
	v4 =	vshll.u32 v9, $0x10;
	v2 =	vadd.f32 v9, v2  }
0x143: {  	s8 =	simm.s32 $0x14130;
	v8 =	vshll.u32 v5, $0x10;
	v1 =	vadd.f32 v5, v1;
	v0 =	vadd.f32 v4, v0  }
0x144: {  	s29 =	simm.s32 $0x128E0;
	v3 =	vadd.f32 v8, v3;
	[tilespmem:s8+$0xFFFFFFE0] =	vst v2  }
0x145: {  	v14 =	vld [tilespmem:s29+$0xFFFFFFE0];
	v4 =	vshll.u32 v7, $0x10;
	v1 =	vadd.f32 v7, v1;
	[tilespmem:s8+$0xFFFFFFD0] =	vst v0  }
0x146: {  	v0 =	vadd.f32 v4, v3;
	v3 =	vld [tilespmem:s18+$0x10]  }
0x147: {  	s13 =	simm.s32 $0xD8C0;
	v1 =	vadd.f32 v6, v1;
	v4 =	vld [tilespmem:s20+$0x30]  }
0x148: {  	v59 =	vld [tilespmem:s13+$0x1000];
	v2 =	vshll.u32 v6, $0x10  }
0x149: {  	v0 =	vadd.f32 v2, v0;
	[tilespmem:s8+$0xFFFFFFA0] =	vst v1;
	v1 =	vld [tilespmem:s20+$0x830]  }
0x14a: {  	v5 =	vld [tilespmem:s20+$0x1830]  }
0x14b: {  	[tilespmem:s8+$0xFFFFFF90] =	vst v0;
	v0 =	vld [tilespmem:s20+$0x1030]  }
0x14c: {  	v2 =	vld [tilespmem:s18+$0xFFFFFFF0];
	v7 =	vshll.u32 v3, $0x10;
	v3 =	vadd.f32 v4, v3  }
0x14d: {  	v6 =	vld [tilespmem:s20+$0x10];
	v8 =	vshll.u32 v4, $0x10  }
0x14e: {  	v4 =	vld [tilespmem:s20+$0x2030];
	v7 =	vadd.f32 v8, v7;
	v9 =	vshll.u32 v1, $0x10;
	v1 =	vadd.f32 v1, v3  }
0x14f: {  	v8 =	vld [tilespmem:s20+$0x810]  }
0x150: {  	v3 =	vld [tilespmem:s20+$0x2830];
	v7 =	vadd.f32 v9, v7;
	v10 =	vshll.u32 v0, $0x10;
	v0 =	vadd.f32 v0, v1  }
0x151: {  	v9 =	vld [tilespmem:s29+$0x0];
	v11 =	vshll.u32 v2, $0x10  }
0x152: {  	v13 =	vshll.u32 v6, $0x10;
	v7 =	vadd.f32 v10, v7;
	v10 =	vld [tilespmem:s13+$0x20];
	v0 =	vadd.f32 v5, v0  }
0x153: {  	v12 =	vshll.u32 v5, $0x10;
	v1 =	vld [tilespmem:s20+$0x3030];
	v2 =	vadd.f32 v6, v2;
	v11 =	vadd.f32 v13, v11  }
0x154: {  	v13 =	vshll.u32 v8, $0x10;
	v6 =	vadd.f32 v12, v7;
	v7 =	vld [tilespmem:s13+$0x820];
	v0 =	vadd.f32 v4, v0  }
0x155: {  	v2 =	vadd.f32 v8, v2;
	v8 =	vld [tilespmem:s13+$0x0];
	v12 =	vshll.u32 v4, $0x10;
	v11 =	vadd.f32 v13, v11  }
0x156: {  	v6 =	vadd.f32 v12, v6;
	v12 =	vshll.u32 v3, $0x10;
	v0 =	vadd.f32 v3, v0;
	v3 =	vld [tilespmem:s13+$0x1020]  }
0x157: {  	v60 =	vld [tilespmem:s13+$0x2800];
	v13 =	vadd.f32 v10, v9;
	v9 =	vshll.u32 v9, $0x10;
	v10 =	vshll.u32 v10, $0x10  }
0x158: {  	v6 =	vadd.f32 v12, v6;
	v12 =	vshll.u32 v1, $0x10;
	v9 =	vadd.f32 v10, v9;
	v10 =	vld [tilespmem:s13+$0x1820]  }
0x159: {  	v0 =	vadd.f32 v1, v0;
	v1 =	vld [tilespmem:s13+$0x800];
	v15 =	vshll.u32 v7, $0x10;
	v7 =	vadd.f32 v7, v13  }
0x15a: {  	v16 =	vshll.u32 v59, $0x10;
	v13 =	vld [tilespmem:s13+$0x2020];
	v6 =	vadd.f32 v12, v6;
	v9 =	vadd.f32 v15, v9  }
0x15b: {  	v5 =	vld [tilespmem:s20+$0x3830];
	v15 =	vshll.u32 v8, $0x10;
	v7 =	vadd.f32 v3, v7;
	v3 =	vshll.u32 v3, $0x10  }
0x15c: {  	v8 =	vadd.f32 v8, v14;
	v14 =	vshll.u32 v14, $0x10;
	v3 =	vadd.f32 v3, v9;
	v9 =	vld [tilespmem:s13+$0x2820]  }
0x15d: {  	v14 =	vadd.f32 v15, v14;
	v15 =	vld [tilespmem:s13+$0x1800];
	v7 =	vadd.f32 v10, v7;
	v10 =	vshll.u32 v10, $0x10  }
0x15e: {  	v8 =	vadd.f32 v1, v8;
	v1 =	vshll.u32 v1, $0x10;
	v3 =	vadd.f32 v10, v3;
	v10 =	vld [tilespmem:s13+$0x3020]  }
0x15f: {  	v1 =	vadd.f32 v1, v14;
	v14 =	vld [tilespmem:s13+$0x2000];
	v7 =	vadd.f32 v13, v7;
	v13 =	vshll.u32 v13, $0x10  }
0x160: {  	v12 =	vshll.u32 v5, $0x10;
	v8 =	vadd.f32 v59, v8;
	v3 =	vadd.f32 v13, v3;
	v13 =	vld [tilespmem:s13+$0x3820]  }
0x161: {  	v62 =	vld [tilespmem:s20+$0x2010];
	v1 =	vadd.f32 v16, v1;
	v7 =	vadd.f32 v9, v7;
	v9 =	vshll.u32 v9, $0x10  }
0x162: {  	v8 =	vadd.f32 v15, v8;
	v15 =	vshll.u32 v15, $0x10;
	v3 =	vadd.f32 v9, v3;
	v9 =	vld [tilespmem:s13+$0x4020]  }
0x163: {  	v1 =	vadd.f32 v15, v1;
	v15 =	vld [tilespmem:s13+$0x3000];
	v7 =	vadd.f32 v10, v7;
	v10 =	vshll.u32 v10, $0x10  }
0x164: {  	v4 =	vld [tilespmem:s20+$0x4030];
	v8 =	vadd.f32 v14, v8;
	v14 =	vshll.u32 v14, $0x10;
	v3 =	vadd.f32 v10, v3  }
0x165: {  	v10 =	vld [tilespmem:s13+$0x3800];
	v1 =	vadd.f32 v14, v1;
	v7 =	vadd.f32 v13, v7;
	v13 =	vshll.u32 v13, $0x10  }
0x166: {  	v16 =	vshll.u32 v60, $0x10;
	v8 =	vadd.f32 v60, v8;
	v3 =	vadd.f32 v13, v3;
	v13 =	vld [tilespmem:s20+$0x1010]  }
0x167: {  	v14 =	vld [tilespmem:s13+$0x4000];
	v1 =	vadd.f32 v16, v1;
	v61 =	vshll.u32 v9, $0x10;
	v7 =	vadd.f32 v9, v7  }
0x168: {  	s14 =	simm.s32 $0x141B0;
	v6 =	vadd.f32 v12, v6;
	v9 =	vld [tilespmem:s20+$0x1810];
	v12 =	vshll.u32 v15, $0x10;
	v3 =	vadd.f32 v61, v3  }
0x169: {  	v17 =	vld [tilespmem:s20+$0x3010];
	v8 =	vadd.f32 v15, v8;
	v15 =	vshll.u32 v4, $0x10;
	v1 =	vadd.f32 v12, v1;
	[tilespmem:s14+$0xFFFFFFE0] =	vst v7  }
0x16a: {  	v0 =	vadd.f32 v5, v0;
	v12 =	vld [tilespmem:s20+$0x2810];
	v15 =	vadd.f32 v15, v6;
	v5 =	vshll.u32 v10, $0x10;
	[tilespmem:s14+$0xFFFFFFD0] =	vst v3  }
0x16b: {  	v3 =	vadd.f32 v10, v8;
	v1 =	vadd.f32 v5, v1;
	v5 =	vld [tilespmem:s29+$0x10];
	v6 =	vshll.u32 v13, $0x10  }
0x16c: {  	v7 =	vshll.u32 v14, $0x10;
	v2 =	vadd.f32 v13, v2;
	v8 =	vld [tilespmem:s13+$0x30];
	v6 =	vadd.f32 v6, v11  }
0x16d: {  	v3 =	vadd.f32 v14, v3;
	v10 =	vshll.u32 v9, $0x10;
	v7 =	vadd.f32 v7, v1;
	v1 =	vld [tilespmem:s20+$0x3810]  }
0x16e: {  	v2 =	vadd.f32 v9, v2;
	v9 =	vld [tilespmem:s13+$0x830];
	v6 =	vadd.f32 v10, v6  }
0x16f: {  	v4 =	vadd.f32 v4, v0;
	v13 =	vshll.u32 v17, $0x10;
	v14 =	vld [tilespmem:s13+$0x1030];
	v10 =	vshll.u32 v62, $0x10;
	[tilespmem:s14+$0xFFFFFFA0] =	vst v3  }
0x170: {  	v0 =	vld [tilespmem:s20+$0x4010];
	v3 =	vshll.u32 v12, $0x10;
	[tilespmem:s14+$0xFFFFFF90] =	vst v7;
	v11 =	vadd.f32 v62, v2;
	v7 =	vadd.f32 v10, v6  }
0x171: {  	v2 =	vld [tilespmem:s29+$0xFFFFFFF0];
	v6 =	vshll.u32 v5, $0x10;
	v10 =	vshll.u32 v8, $0x10;
	v5 =	vadd.f32 v8, v5  }
0x172: {  	v8 =	vadd.f32 v10, v6;
	v6 =	vld [tilespmem:s13+$0x1830];
	v63 =	vshll.u32 v1, $0x10;
	v3 =	vadd.f32 v3, v7  }
0x173: {  	v7 =	vld [tilespmem:s13+$0x10];
	v10 =	vadd.f32 v9, v5;
	v5 =	vshll.u32 v9, $0x10;
	v9 =	vadd.f32 v12, v11  }
0x174: {  	[tilespmem:s8+$0xFFFFFFF0] =	vst v15;
	v15 =	vshll.u32 v14, $0x10;
	v11 =	vadd.f32 v5, v8;
	v5 =	vld [tilespmem:s13+$0x2030];
	v18 =	vadd.f32 v13, v3  }
0x175: {  	v8 =	vld [tilespmem:s13+$0x810];
	v3 =	vshll.u32 v0, $0x10;
	v12 =	vadd.f32 v14, v10;
	v13 =	vadd.f32 v17, v9  }
0x176: {  	s16 =	simm.s32 $0x2;
	s2 =	simm.s32 $0x12920;
	s18 =	simm.s32 $0xD8C0;
	[tilespmem:s8+$0x0] =	vst v4;
	v10 =	vshll.u32 v2, $0x10;
	v9 =	vld [tilespmem:s13+$0x2830];
	v11 =	vadd.f32 v15, v11;
	v4 =	vadd.f32 v63, v18  }
.LBB2_5:
0x177: {  	v14 =	vld [tilespmem:s2+$0x0];
	v15 =	vshll.u32 v6, $0x10;
	v6 =	vadd.f32 v6, v12;
	v12 =	vadd.f32 v1, v13  }
0x178: {  	s18 =	sadd.s32 $0x40, s18;
	v1 =	vshll.u32 v7, $0x10;
	v2 =	vadd.f32 v7, v2;
	v7 =	vadd.f32 v15, v11;
	v11 =	vld [tilespmem:s13+$0x3030]  }
0x179: {  	v13 =	vld [tilespmem:s18+$0x20];
	v10 =	vadd.f32 v1, v10;
	v15 =	vshll.u32 v5, $0x10;
	v5 =	vadd.f32 v5, v6  }
0x17a: {  	v6 =	vshll.u32 v8, $0x10;
	v1 =	vadd.f32 v8, v2;
	v7 =	vadd.f32 v15, v7;
	v8 =	vld [tilespmem:s13+$0x3830]  }
0x17b: {  	s16 =	sadd.s32 $0x2, s16;
	v15 =	vld [tilespmem:s18+$0x820];
	v2 =	vadd.f32 v6, v10;
	v6 =	vshll.u32 v9, $0x10;
	v5 =	vadd.f32 v9, v5  }
0x17c: {  	p0 =	slt.u32 s16, $0x3E;
	v3 =	vadd.f32 v3, v4;
	v6 =	vadd.f32 v6, v7;
	v7 =	vld [tilespmem:s13+$0x4030]  }
0x17d: {  	v0 =	vadd.f32 v0, v12;
	v4 =	vld [tilespmem:s18+$0x0];
	v9 =	vshll.u32 v11, $0x10;
	v5 =	vadd.f32 v11, v5  }
0x17e: {  	v10 =	vadd.f32 v13, v14;
	v11 =	vld [tilespmem:s18+$0x1020];
	v6 =	vadd.f32 v9, v6;
	[tilespmem:s8+$0xFFFFFFB0] =	vst v3  }
0x17f: {  	v9 =	vshll.u32 v14, $0x10;
	v12 =	vshll.u32 v13, $0x10;
	v3 =	vld [tilespmem:s2+$0xFFFFFFE0];
	v13 =	vshll.u32 v8, $0x10;
	[tilespmem:s8+$0xFFFFFFC0] =	vst v0;
	s8 =	smov.u32 s14  }
0x180: {  	v0 =	vadd.f32 v12, v9;
	v9 =	vld [tilespmem:s18+$0x1820];
	v6 =	vadd.f32 v13, v6  }
0x181: {  	v13 =	vshll.u32 v15, $0x10;
	v10 =	vadd.f32 v15, v10;
	v12 =	vld [tilespmem:s18+$0x800];
	v14 =	vshll.u32 v7, $0x10  }
0x182: {  	v0 =	vadd.f32 v13, v0;
	v15 =	vshll.u32 v4, $0x10;
	v13 =	vld [tilespmem:s18+$0x2020];
	v6 =	vadd.f32 v14, v6  }
0x183: {  	v5 =	vadd.f32 v8, v5;
	v14 =	vld [tilespmem:s18+$0x1000];
	v16 =	vshll.u32 v11, $0x10;
	v10 =	vadd.f32 v11, v10  }
0x184: {  	v8 =	vshll.u32 v3, $0x10;
	v3 =	vadd.f32 v4, v3;
	v0 =	vadd.f32 v16, v0;
	v4 =	vld [tilespmem:s18+$0x2820];
	[tilespmem:s14+$0xFFFFFFF0] =	vst v6  }
0x185: {  	v6 =	vadd.f32 v15, v8;
	v8 =	vld [tilespmem:s18+$0x1800];
	v11 =	vshll.u32 v9, $0x10;
	v9 =	vadd.f32 v9, v10  }
0x186: {  	v10 =	vshll.u32 v12, $0x10;
	v3 =	vadd.f32 v12, v3;
	v0 =	vadd.f32 v11, v0;
	v11 =	vld [tilespmem:s18+$0x3020]  }
0x187: {  	v6 =	vadd.f32 v10, v6;
	v10 =	vld [tilespmem:s18+$0x2000];
	v12 =	vshll.u32 v13, $0x10;
	v9 =	vadd.f32 v13, v9  }
0x188: {  	v13 =	vshll.u32 v14, $0x10;
	v3 =	vadd.f32 v14, v3;
	v0 =	vadd.f32 v12, v0;
	v12 =	vld [tilespmem:s18+$0x3820]  }
0x189: {  	v6 =	vadd.f32 v13, v6;
	v13 =	vld [tilespmem:s18+$0x2800];
	v14 =	vshll.u32 v4, $0x10;
	v4 =	vadd.f32 v4, v9  }
0x18a: {  	v9 =	vshll.u32 v8, $0x10;
	v3 =	vadd.f32 v8, v3;
	v0 =	vadd.f32 v14, v0;
	v8 =	vld [tilespmem:s18+$0x4020]  }
0x18b: {  	v6 =	vadd.f32 v9, v6;
	v9 =	vld [tilespmem:s18+$0x3000];
	v14 =	vshll.u32 v11, $0x10;
	v4 =	vadd.f32 v11, v4  }
0x18c: {  	v11 =	vshll.u32 v10, $0x10;
	v3 =	vadd.f32 v10, v3;
	v10 =	vld [tilespmem:s18+$0x3800];
	v0 =	vadd.f32 v14, v0  }
0x18d: {  	v6 =	vadd.f32 v11, v6;
	v11 =	vld [tilespmem:s18+$0x4000];
	v14 =	vshll.u32 v12, $0x10;
	v4 =	vadd.f32 v12, v4  }
0x18e: {  	v12 =	vshll.u32 v13, $0x10;
	v3 =	vadd.f32 v13, v3;
	v0 =	vadd.f32 v14, v0;
	v13 =	vld [tilespmem:s13+$0x1010]  }
0x18f: {  	v6 =	vadd.f32 v12, v6;
	v12 =	vshll.u32 v8, $0x10;
	v4 =	vadd.f32 v8, v4;
	v8 =	vld [tilespmem:s13+$0x1810]  }
0x190: {  	s14 =	sadd.s32 $0x80, s14;
	v14 =	vshll.u32 v9, $0x10;
	v3 =	vadd.f32 v9, v3;
	v0 =	vadd.f32 v12, v0;
	v9 =	vld [tilespmem:s13+$0x2010]  }
0x191: {  	v5 =	vadd.f32 v7, v5;
	v6 =	vadd.f32 v14, v6;
	v12 =	vshll.u32 v10, $0x10;
	[tilespmem:s14+$0xFFFFFFE0] =	vst v4;
	v4 =	vld [tilespmem:s13+$0x2810]  }
0x192: {  	v3 =	vadd.f32 v10, v3;
	v7 =	vshll.u32 v11, $0x10;
	[tilespmem:s14+$0xFFFFFFD0] =	vst v0;
	v10 =	vld [tilespmem:s13+$0x3010]  }
0x193: {  	v0 =	vadd.f32 v12, v6;
	v6 =	vld [tilespmem:s2+$0x10];
	v12 =	vshll.u32 v13, $0x10;
	v1 =	vadd.f32 v13, v1;
	[tilespmem:s8+$0x0] =	vst v5  }
0x194: {  	v3 =	vadd.f32 v11, v3;
	v5 =	vld [tilespmem:s18+$0x30];
	v2 =	vadd.f32 v12, v2;
	v11 =	vshll.u32 v8, $0x10  }
0x195: {  	v0 =	vadd.f32 v7, v0;
	v7 =	vadd.f32 v8, v1;
	v8 =	vshll.u32 v9, $0x10;
	v1 =	vld [tilespmem:s13+$0x3810]  }
0x196: {  	[tilespmem:s14+$0xFFFFFFA0] =	vst v3;
	v3 =	vld [tilespmem:s18+$0x830];
	v2 =	vadd.f32 v11, v2;
	v11 =	vshll.u32 v4, $0x10  }
0x197: {  	[tilespmem:s14+$0xFFFFFF90] =	vst v0;
	v9 =	vadd.f32 v9, v7;
	v12 =	vshll.u32 v10, $0x10;
	v0 =	vld [tilespmem:s13+$0x4010];
	s13 =	smov.u32 s18  }
0x198: {  	v13 =	vld [tilespmem:s18+$0x1030];
	v7 =	vadd.f32 v8, v2  }
0x199: {  	v8 =	vshll.u32 v6, $0x10;
	v2 =	vld [tilespmem:s2+$0xFFFFFFF0];
	v14 =	vshll.u32 v5, $0x10;
	v5 =	vadd.f32 v5, v6  }
.Ltmp1:
0x19a: {  	v8 =	vadd.f32 v14, v8;
	v6 =	vld [tilespmem:s18+$0x1830];
	v11 =	vadd.f32 v11, v7;
	v14 =	vshll.u32 v1, $0x10;
	(pc) =	sbr.rel @p0 .LBB2_5-.Ltmp1, $4  }
0x19b: {  	v4 =	vadd.f32 v4, v9;
	v7 =	vld [tilespmem:s18+$0x10];
	v15 =	vshll.u32 v3, $0x10;
	v16 =	vadd.f32 v3, v5  }
0x19c: {  	v9 =	vadd.f32 v15, v8;
	v5 =	vld [tilespmem:s18+$0x2030];
	v15 =	vadd.f32 v12, v11;
	v3 =	vshll.u32 v0, $0x10  }
0x19d: {  	v8 =	vld [tilespmem:s18+$0x810];
	v11 =	vshll.u32 v13, $0x10;
	v12 =	vadd.f32 v13, v16;
	v13 =	vadd.f32 v10, v4  }
0x19e: {  	s2 =	sadd.s32 $0x40, s2;
	v10 =	vshll.u32 v2, $0x10;
	v11 =	vadd.f32 v11, v9;
	v9 =	vld [tilespmem:s18+$0x2830];
	v4 =	vadd.f32 v14, v15  }
0x19f: {  	v14 =	vld [tilespmem:s13+$0x1010]  }
0x1a0: {  	v1 =	vadd.f32 v1, v13;
	v36 =	vshll.u32 v7, $0x10;
	v2 =	vadd.f32 v7, v2  }
0x1a1: {  	v12 =	vadd.f32 v6, v12;
	v37 =	vshll.u32 v6, $0x10;
	v38 =	vld [tilespmem:s13+$0x1810];
	v10 =	vadd.f32 v36, v10  }
0x1a2: {  	v6 =	vadd.f32 v37, v11;
	v39 =	vshll.u32 v8, $0x10;
	v2 =	vadd.f32 v8, v2  }
0x1a3: {  	v42 =	vld [tilespmem:s13+$0x2010];
	v3 =	vadd.f32 v3, v4;
	v7 =	vadd.f32 v39, v10  }
0x1a4: {  	v43 =	vld [tilespmem:s13+$0x3030];
	v41 =	vadd.f32 v5, v12;
	v44 =	vshll.u32 v14, $0x10;
	v2 =	vadd.f32 v14, v2  }
0x1a5: {  	v45 =	vld [tilespmem:s13+$0x2810];
	v40 =	vshll.u32 v5, $0x10;
	v0 =	vadd.f32 v0, v1;
	v7 =	vadd.f32 v44, v7  }
0x1a6: {  	v46 =	vld [tilespmem:s13+$0x3830];
	v6 =	vadd.f32 v40, v6;
	v48 =	vshll.u32 v38, $0x10;
	v2 =	vadd.f32 v38, v2  }
0x1a7: {  	v49 =	vld [tilespmem:s13+$0x3010];
	v5 =	vadd.f32 v9, v41;
	v7 =	vadd.f32 v48, v7  }
0x1a8: {  	v50 =	vld [tilespmem:s13+$0x4030];
	v47 =	vshll.u32 v9, $0x10;
	v51 =	vshll.u32 v42, $0x10;
	v2 =	vadd.f32 v42, v2  }
0x1a9: {  	v53 =	vld [tilespmem:s13+$0x3810];
	v6 =	vadd.f32 v47, v6;
	v52 =	vshll.u32 v43, $0x10;
	v4 =	vadd.f32 v51, v7  }
0x1aa: {  	v54 =	vshll.u32 v45, $0x10;
	v5 =	vadd.f32 v43, v5;
	v2 =	vadd.f32 v45, v2  }
0x1ab: {  	v55 =	vld [tilespmem:s13+$0x4010];
	v56 =	vshll.u32 v46, $0x10;
	v6 =	vadd.f32 v52, v6;
	v1 =	vadd.f32 v54, v4  }
0x1ac: {  	v57 =	vshll.u32 v49, $0x10;
	v5 =	vadd.f32 v46, v5;
	v2 =	vadd.f32 v49, v2  }
0x1ad: {  	v58 =	vshll.u32 v50, $0x10;
	v4 =	vadd.f32 v56, v6;
	v1 =	vadd.f32 v57, v1  }
0x1ae: {  	s9 =	sadd.s32 $0x1, s9;
	[tilespmem:s8+$0xFFFFFFB0] =	vst v3;
	v59 =	vshll.u32 v53, $0x10;
	v61 =	vadd.f32 v50, v5;
	v2 =	vadd.f32 v53, v2  }
0x1af: {  	p0 =	sne.s32 s9, $0x20;
	[tilespmem:s8+$0xFFFFFFC0] =	vst v0;
	v60 =	vadd.f32 v58, v4;
	v1 =	vadd.f32 v59, v1  }
.Ltmp2:
0x1b0: {  	v62 =	vshll.u32 v55, $0x10;
	[tilespmem:s14+$0x0] =	vst v61;
	v63 =	vadd.f32 v55, v2;
	(pc) =	sbr.rel @p0 .LBB2_2-.Ltmp2, $4  }
0x1b1: {  	s2 =	smul.u32 $0x408, s10;
	[tilespmem:s14+$0xFFFFFFF0] =	vst v60;
	v1 =	vadd.f32 v62, v1  }
0x1b2: {  	s29 =	rddreg [dreg:$0x4];
	[tilespmem:s14+$0xFFFFFFC0] =	vst v63  }
0x1b3: {  	s2 =	sadd.s32 s29, s2;
	[tilespmem:s14+$0xFFFFFFB0] =	vst v1  }
0x1b4: {  	[hbm4b:s2+s4] =	stream.linear.scatter [tilespmem:s17], [sflag:$0x5], $0x2040, $0x38;
	[tilespmem:$0x150C0] =	vst v63  }
0x1b5: {  	s8 =	simm.s32 $0x5  }
0x1b6: {  	_ =	swait.ge [sflag:s8], $0x2040  }
0x1b7: {  	s9 =	rddreg [dreg:$0xa]  }
0x1b8: {  	s2 =	rddreg [dreg:$0x9];
	s9 =	sadd.s32 $0x1, s9  }
0x1b9: {  	p0 =	sne.s32 s9, s2  }
.Ltmp3:
0x1ba: {  	_ = 	snop;
	(pc) =	sbr.rel @p0 .LBB2_1-.Ltmp3, $3  }
0x1bb: {  	_ =	sdelay $0x1  }
0x1bc: {  	[sflag:s8] =	ssyncset.done $0x0  }
0x1bd: {  	[sflag:s8] =	ssyncadd.s32 $0xFFFFDFC0  }
0x1be: {  	_ =	sfence.sel $0x180000  }
0x1bf: {  	[bflag:$0x0] =	sbarrier.arrive $0xFFFF  }
0x1c0: {  	_ =	strace $0x90000047  }
0x1c1: {  	s0 =	stileid.u32;
	[bflag:$0x2] =	sbarrier.arrive $0xFFFF  }
0x1c2: {  	p0 =	sne.s32 s0, $0x0;
	s0 =	rddreg [dreg:$0x5]  }
0x1c3: {  	s0 =	sadd.s32 @!p0 $0x100000, s0  }
0x1c4: {  	[sflag:s0] =	ssyncadd.tile.s32 @!p0 $0x1;
	_ =	shalt  }
.Lfunc_end2:
_tile_overlayer_lowered:
.L_overlay_start_2:
0x1c5: {  	(tag) =	ssettag $0x2  }
0x1c6: {  	s0 =	rddreg [dreg:$0x0];
	s2 =	stileid.u32  }
0x1c7: {  	s1 =	rddreg [dreg:$0x1];
	p0 =	sne.s32 s2, $0x0  }
0x1c8: {  	s3 =	rddreg [dreg:$0x2];
	[bflag:$0x3] =	sbarrier.arrive $0xFFFF;
	s2 =	simm.s32 @!p0 $0x1C06  }
0x1c9: {  	[timem:s3], [sflag:s2] =	dma.local @!p0 [hbm:s0], s1  }
0x1ca: {  	s0 =	simm.s32 @!p0 $0x6  }
0x1cb: {  	_ =	swait.ge @!p0 [sflag:s0], s1  }
0x1cc: {  	s1 =	ssub.s32 @!p0 $0x0, s1;
	[sflag:s0] =	ssyncset.done @!p0 $0x0  }
0x1cd: {  	[sflag:s0] =	ssyncadd.s32 @!p0 s1  }
0x1ce: {  	[bflag:$0x3] =	sbarrier.arrive $0xFFFF  }
0x1cf: {  	_ =	shalt  }

// kernel: sparse-core-data-format-call.cloned.1.call-start
scs
called_computation_lowered:
.L_overlay_start_0:
0x0: {  	s2 =	sld [smem:$0x3FD9]  }
0x1: {  	s3 =	sld [smem:$0x3FFE];
	_ =	sdelay $0x1  }
0x2: {  	s1 =	srdreg.scid  }
0x3: {  	s0 =	sand.u32 $0x1, s1  }
0x4: {  	s18 =	sshll.u32 s0, $0xA;
	s2 =	sadd.s32 s3, s2  }
0x5: {  	s2 =	sadd.s32 s2, s18  }
0x6: {  	[smem:$0x3FC3] =	sst s2  }
0x7: {  	_ = 	snop  }
0x8: {  	s2 =	sld [smem:$0x3FD0];
	(tm) =	ssettm $0x1  }
0x9: {  	s19 =	sld [smem:$0x3FFB];
	_ =	sdelay $0x3  }
0xa: {  	_ =	strace s19  }
0xb: {  	s3 =	sld [smem:$0x3FFC];
	_ =	sdelay $0x3  }
0xc: {  	_ =	strace s3  }
0xd: {  	s3 =	sld [smem:$0x3FFD];
	_ =	sdelay $0x3  }
0xe: {  	_ =	strace s3  }
0xf: {  	_ =	strace $0x8FFFFFFF  }
0x10: {  	s20 =	sld [smem:$0x3FDB];
	_ =	sdelay $0x1  }
0x11: {  	s4 =	simm.s32 $_scs_section_size  }
0x12: {  	s5 =	simm.s32 $_size__tile_overlayer_lowered;
	s6 =	simm.s32 $_tile_overlayer_lowered  }
0x13: {  	s23 =	simm.s32 $0x1BFF;
	s22 =	sshll.u32 s6, $0x1;
	s3 =	sadd.s32 s4, s20  }
0x14: {  	s7 =	simm.s32 $0x0;
	s21 =	sshll.u32 s5, $0x1;
	s5 =	sadd.s32 s22, s3  }
0x15: {  	[timem:s7], [sflag:s23] =	dma.local [hbm:s5], s21  }
0x16: {  	_ =	swait.ge [sflag:s23], s21  }
0x17: {  	s4 =	ssub.s32 $0x0, s21;
	[sflag:s23] =	ssyncset.done $0x0  }
0x18: {  	[sflag:s23] =	ssyncadd.s32 s4;
	_ =	sdelay $0x1  }
0x19: {  	s24 =	simm.s32 $0x1B8B  }
0x1a: {  	_ =	swait.ge [sflag:s24], $0x1  }
0x1b: {  	[sflag:s24] =	ssyncset.done $0x0  }
0x1c: {  	s26 =	simm.s32 $0x1B8E;
	s25 =	sld [smem:$0x3FFE];
	[sflag:s24] =	ssyncadd.s32 $0xFFFFFFFF  }
0x1d: {  	s27 =	simm.s32 $execute0_lowered;
	[smem:$0x3FD2] =	sst s26  }
0x1e: {  	s5 =	sshll.u32 s27, $0x1;
	_ =	strace $0x80000049;
	[dreg:$0x1] =	wrdreg $0xFFFFFFFF  }
0x1f: {  	s28 =	simm.s32 $_size_execute0_lowered;
	s3 =	sadd.s32 s3, s5;
	[dreg:$0x0] =	wrdreg $0x0  }
0x20: {  	s5 =	sshll.u32 s28, $0x1;
	[dreg:$0x2] =	wrdreg s3  }
0x21: {  	[dreg:$0x3] =	wrdreg s5  }
0x22: {  	[dreg:$0x4] =	wrdreg $0xC0  }
0x23: {  	_ =	task [dreg:s7], $0x5FFFF  }
0x24: {  	[dreg:$0x1] =	wrdreg $0xFFFFFFFF  }
0x25: {  	[dreg:$0x0] =	wrdreg $0x60  }
0x26: {  	[dreg:$0x2] =	wrdreg s25  }
0x27: {  	[dreg:$0x3] =	wrdreg s2  }
0x28: {  	[dreg:$0x4] =	wrdreg $0x9  }
0x29: {  	_ =	task.clear_ibuf [dreg:s7], $0x5FFFF;
	_ =	strace $0x90000049  }
0x2a: {  	s29 =	simm.s32 $0x9;
	_ =	strace $0x8000004B  }
0x2b: {  	_ =	swait.ge [sflag:s29], $0x1  }
0x2c: {  	[sflag:s29] =	ssyncadd.s32 $0xFFFFFFFF  }
0x2d: {  	_ =	strace $0x9000004B  }
0x2e: {  	_ =	sfence  }
0x2f: {  	s30 =	sld [smem:$0x0];
	_ =	sdelay $0x2  }
0x30: {  	s31 =	sshll.u32 s1, $0xD;
	s1 =	sshrl.u32 s1, $0x2  }
0x31: {  	s3 =	sand.u32 $0x4000, s31;
	s1 =	sadd.s32 s1, s30  }
0x32: {  	s0 =	sor.u32 s3, s0;
	s1 =	sshll.u32 s1, $0x11  }
0x33: {  	s0 =	sor.u32 s1, s0  }
0x34: {  	s0 =	sadd.s32 $0x8F2B, s0  }
0x35: {  	[sflag:s0] =	ssyncadd.remote.s32 $0x1  }
0x36: {  	_ =	sfence.sel $0xFFFF  }
0x37: {  	[dreg:$0x0] =	wrdreg $0xFFFFFFFF;
	(pc) =	sbr.abs _section_cstart, $3  }
0x38: {  	[dreg:$0x1] =	wrdreg $0xFFFFFFFF  }
0x39: {  	_ =	task.clear_ibuf [dreg:s7], $0x2FFFF;
	_ =	strace $0x9FFFFFFF  }
0x3a: {  	(tm) =	ssettm $0x7FFFFFFF  }
0x3b: {  	_ =	shalt  }
tec
execute0_lowered:
.L_overlay_start_1:
0x0: {  	(tag) =	ssettag $0x1  }
0x1: {  	s0 =	stileid.u32  }
0x2: {  	s7 =	rddreg [dreg:$0x0];
	s1 =	srdreg.scid  }
0x3: {  	s2 =	rddreg [dreg:$0x1];
	s31 =	simm.s32 $0x2;
	s13 =	simm.s32 $0x0  }
0x4: {  	s14 =	simm.s32 $0x0;
	s3 =	sshll.u32 s0, $0x7;
	s4 =	sshll.u32 s1, $0x4  }
0x5: {  	s12 =	simm.s32 $0x0;
	s3 =	sand.u32 $0x380, s3;
	s4 =	sand.u32 $0x10, s4  }
0x6: {  	s1 =	rddreg [dreg:$0x2];
	s5 =	ssub.s32 $0x400, s3;
	s4 =	sor.u32 s0, s4  }
0x7: {  	_ =	strace $0x8000004A;
	s6 =	sand.u32 $0x380, s5;
	s4 =	sshrl.u32 s4, $0x3  }
0x8: {  	s8 =	sshrl.u32 s5, $0xA;
	p0 =	sne.s32 s6, $0x0;
	s6 =	simm.s32 $0x1  }
.Ltmp0:
0x9: {  	s9 =	ssub.s32 $0x84, s4;
	s6 =	simm.s32 @!p0 $0x0;
	(pc) =	sbr.rel .LBB1_1-.Ltmp0, $4  }
0xa: {  	s5 =	simm.s32 $0x1;
	s30 =	sshrl.u32 s9, $0x2;
	s6 =	sadd.s32 s6, s8  }
0xb: {  	s7 =	sadd.s32 $0x800, s7;
	[sflag:s5] =	ssyncpa.u1 $0x0;
	s6 =	smul.u32 s30, s6  }
0xc: {  	s11 =	smov.u32 s3;
	s10 =	smov.u32 s4;
	[sflag:s31] =	ssyncpa.u1 $0x0  }
0xd: {  	p0 =	por $0x0, $0x0;
	s9 =	simm.s32 $0x2000;
	s8 =	sadd.s32 $0x1, s6  }
.LBB1_4:
0xe: {  	s17 =	sand.u32 $0x1F80, s14;
	s13 =	sshll.u32 s13, $0xD  }
0xf: {  	[tilespmem:s16+$0x810 ss:$0x81] =	vst.msk $0xffff, v2;
	s18 =	sshrl.u32 s14, $0x3;
	s31 =	sand.u32 $0x7, s14;
	s17 =	sadd.s32 s2, s17  }
0x10: {  	[tilespmem:s16+$0x1020 ss:$0x81] =	vst.msk $0xffff, v0;
	s18 =	sand.u32 $0xF, s18;
	s14 =	sshll.u32 s31, $0x12;
	s13 =	sadd.s32 s13, s17  }
0x11: {  	[tilespmem:s16+$0x0 ss:$0x81] =	vst.msk $0xffff, v1;
	s14 =	sor.u32 $0x400, s14;
	s13 =	sadd.s32 s18, s13  }
0x12: {  	[hbm4b:s13+s14] =	stream.strided.scatter [tilespmem:s15], [sflag:$0x2], $0x2000, s9, s14, $0x20;
	[tilespmem:$0x8080] =	vst v63  }
.LBB1_5:
0x13: {  	s15 =	sadd.s32 $0x4, s10  }
0x14: {  	s13 =	sadd.s32 $0x400, s11;
	s17 =	smov.u32 s11;
	p2 =	sgt.s32 s15, $0x80  }
0x15: {  	s17 =	smov.u32 @p2 s13  }
0x16: {  	s15 =	smov.u32 @p2 s4;
	p2 =	sgt.s32 s17, $0x3FF  }
0x17: {  	s17 =	smov.u32 @p2 s3;
	p2 =	sne.s32 s12, s8  }
.Ltmp1:
0x18: {  	p1 =	slt.u32 s12, $0x2;
	(pc) =	sbr.rel @!p2 .LBB1_6-.Ltmp1, $4  }
0x19: {  	s16 =	simm.s32 @!p1 $0x2  }
0x1a: {  	s14 =	smov.u32 s11;
	p0 =	por !p0, !p0;
	_ =	swait.ge @!p1 [sflag:s16], $0x2000  }
0x1b: {  	s13 =	smov.u32 s10;
	[sflag:s16] =	ssyncset.done @!p1 $0x0;
	s10 =	smov.u32 s15  }
0x1c: {  	s12 =	sadd.s32 $0x1, s12;
	[sflag:s16] =	ssyncadd.s32 @!p1 $0xFFFFE000;
	s11 =	smov.u32 s17  }
.LBB1_1:
0x1d: {  	p1 =	sge.u32 s12, s6  }
0x1e: {  	s15 =	sand.u32 @!p1 $0x1FFFFFF, s10  }
0x1f: {  	s16 =	smulhi.u32 @!p1 $0x1E1E1E2, s15;
	_ =	sdelay $0x1  }
0x20: {  	s16 =	smul.u32 @!p1 $0x88, s16  }
0x21: {  	s17 =	sxor.u32 @!p1 $0xFFFFFFFF, s12;
	s18 =	smul.u32 @!p1 $0x880, s11  }
0x22: {  	s31 =	sadd.s32 $0xFFFFFFFF, s12;
	s17 =	sshll.u32 @!p1 s17, $0xD;
	s15 =	ssub.s32 @!p1 s15, s16  }
0x23: {  	s16 =	sand.u32 @!p1 $0x2000, s17;
	s17 =	sadd.s32 @!p1 s7, s18;
	s15 =	sshll.u32 @!p1 s15, $0x4  }
0x24: {  	s18 =	simm.s32 @!p1 $0x4400;
	s15 =	sadd.s32 @!p1 s15, s17;
	s17 =	simm.s32 @!p1 $0x40  }
0x25: {  	[tilespmem:s16], [sflag:$0x1] =	stream.strided.gather @!p1 [hbm4b:s15+s17], $0x2000, s18, s17, $0x38;
	[tilespmem:$0x8080] =	vst v63  }
0x26: {  	p1 =	sge.u32 s31, s6  }
.Ltmp2:
0x27: {  	_ = 	snop;
	(pc) =	sbr.rel @p1 .LBB1_5-.Ltmp2, $1  }
0x28: {  	_ =	sdelay $0x3  }
0x29: {  	s15 =	simm.s32 $0x1  }
0x2a: {  	_ =	swait.ge [sflag:s5], $0x2000;
	s15 =	simm.s32 @!p0 $0x0  }
0x2b: {  	[sflag:s5] =	ssyncset.done $0x0;
	s16 =	sshll.u32 s15, $0xD  }
0x2c: {  	[sflag:s5] =	ssyncadd.s32 $0xFFFFE000;
	s19 =	sor.u32 $0x20, s16  }
0x2d: {  	s15 =	smul.u32 $0x8100, s15;
	v3 =	vld [tilespmem:s19+$0x10]  }
0x2e: {  	s30 =	sand.u32 $0x1, s12;
	v2 =	vld [tilespmem:s19+$0xFFFFFFF0]  }
0x2f: {  	s16 =	smul.u32 $0x8100, s30;
	s15 =	sshrl.u32 s15, $0x2;
	v0 =	vld [tilespmem:s19+$0x0]  }
0x30: {  	v1 =	vld [tilespmem:s19+$0xFFFFFFE0];
	s17 =	sor.u32 $0x4000, s15  }
0x31: {  	s31 =	sshrl.u32 s16, $0x2;
	s16 =	sadd.s32 $0x0, s17  }
0x32: {  	s18 =	simm.s32 $0x4;
	s19 =	sadd.s32 $0x40, s19;
	s15 =	sor.u32 $0x4000, s31;
	[tilespmem:s16+$0x1830 ss:$0x81] =	vst.msk $0xffff, v3  }
.LBB1_3:
0x33: {  	v3 =	vld [tilespmem:s19+$0x10];
	p1 =	sne.s32 s18, $0x1FC;
	[tilespmem:s16+$0x810 ss:$0x81] =	vst.msk $0xffff, v2;
	s20 =	smov.u32 s18;
	s18 =	sadd.s32 $0x4, s18  }
.Ltmp3:
0x34: {  	v2 =	vld [tilespmem:s19+$0xFFFFFFF0];
	[tilespmem:s16+$0x1020 ss:$0x81] =	vst.msk $0xffff, v0;
	(pc) =	sbr.rel @p1 .LBB1_3-.Ltmp3, $4  }
0x35: {  	v0 =	vld [tilespmem:s19+$0x0];
	[tilespmem:s16+$0x0 ss:$0x81] =	vst.msk $0xffff, v1  }
0x36: {  	s16 =	sshra.s32 s20, $0x2;
	v1 =	vld [tilespmem:s19+$0xFFFFFFE0]  }
0x37: {  	s16 =	sadd.s32 s16, s17  }
0x38: {  	s19 =	sadd.s32 $0x40, s19;
	[tilespmem:s16+$0x1830 ss:$0x81] =	vst.msk $0xffff, v3  }
.Ltmp4:
0x39: {  	_ = 	snop;
	(pc) =	sbr.rel .LBB1_4-.Ltmp4, $1  }
0x3a: {  	_ =	sdelay $0x3  }
.LBB1_6:
0x3b: {  	_ =	sfence.sel $0x180000  }
0x3c: {  	s2 =	simm.s32 $0x1;
	[bflag:$0x0] =	sbarrier.arrive $0xFFFF  }
0x3d: {  	s31 =	simm.s32 $0x2;
	[sflag:s2] =	ssyncpa.u1 $0x1  }
0x3e: {  	[sflag:s31] =	ssyncpa.u1 $0x1  }
0x3f: {  	p0 =	sne.s32 s0, $0x0;
	_ =	strace $0x9000004A  }
0x40: {  	s0 =	sadd.s32 @!p0 $0x100000, s1;
	[bflag:$0x2] =	sbarrier.arrive $0xFFFF  }
0x41: {  	[sflag:s0] =	ssyncadd.tile.s32 @!p0 $0x1;
	_ =	shalt  }
.Lfunc_end1:
_tile_overlayer_lowered:
.L_overlay_start_2:
0x42: {  	(tag) =	ssettag $0x2  }
0x43: {  	s0 =	rddreg [dreg:$0x0];
	s2 =	stileid.u32  }
0x44: {  	s1 =	rddreg [dreg:$0x1];
	p0 =	sne.s32 s2, $0x0  }
0x45: {  	s3 =	rddreg [dreg:$0x2];
	[bflag:$0x3] =	sbarrier.arrive $0xFFFF;
	s2 =	simm.s32 @!p0 $0x1C01  }
0x46: {  	[timem:s3], [sflag:s2] =	dma.local @!p0 [hbm:s0], s1  }
0x47: {  	s0 =	simm.s32 @!p0 $0x1  }
0x48: {  	_ =	swait.ge @!p0 [sflag:s0], s1  }
0x49: {  	s1 =	ssub.s32 @!p0 $0x0, s1;
	[sflag:s0] =	ssyncset.done @!p0 $0x0  }
0x4a: {  	[sflag:s0] =	ssyncadd.s32 @!p0 s1  }
0x4b: {  	[bflag:$0x3] =	sbarrier.arrive $0xFFFF  }
0x4c: {  	_ =	shalt  }

</sc_bundles>
